<compile_context>
chip_gen: v7x
topology: tpu7x:2x2x1
jax: 0.10.2.dev20260603
libtpu: 0.0.44.dev20260713+nightly
codegen_flags: <defaults>
</compile_context>

<pallas_src>
import functools

import jax
import jax.numpy as jnp
from jax import lax
from jax.experimental import pallas as pl
from jax.experimental.pallas import tpu as pltpu
from jax.experimental.pallas import tpu_sc as plsc

N_TABLES = 26
NUM_EMB = 100000
EMB_DIM = 32

_NC, _NS = 2, 16
_NW = _NC * _NS
_LANE = 16

_CT = NUM_EMB // 128
_MAIN = _CT * 128
_MAINROWS = N_TABLES * _MAIN
_TAIL = NUM_EMB - _MAIN

_R = 64
_KK = _R * N_TABLES
_GROUPS = _KK // _LANE


def _linearize(wt, twflat):
    mesh = plsc.VectorSubcoreMesh(core_axis_name="c", subcore_axis_name="s")

    @functools.partial(
        pl.kernel,
        mesh=mesh,
        out_type=jax.ShapeDtypeStruct((N_TABLES * NUM_EMB * EMB_DIM,), jnp.float32),
        scratch_types=[
            pltpu.VMEM((4, 32, 2 * 128), jnp.float32),
            pltpu.VMEM((2 * 4096,), jnp.float32),
            pltpu.VMEM((2 * 4096,), jnp.float32),
            pltpu.VMEM((2 * 4096,), jnp.float32),
            pltpu.VMEM((2 * 4096,), jnp.float32),
            pltpu.VMEM((1024,), jnp.float32),
            pltpu.SemaphoreType.DMA,
            pltpu.SemaphoreType.DMA,
            pltpu.SemaphoreType.DMA,
            pltpu.SemaphoreType.DMA,
            pltpu.SemaphoreType.DMA,
            pltpu.SemaphoreType.DMA,
            pltpu.SemaphoreType.DMA,
            pltpu.SemaphoreType.DMA,
        ],
        compiler_params=pltpu.CompilerParams(needs_layout_passes=False),
    )
    def ka(
        wt_hbm, tw_hbm, out_hbm, inb, outb0, outb1, outb2, outb3, tailv,
        gi0, gi1, gi2, gi3, wo0, wo1, wo2, wo3,
    ):
        outbs = (outb0, outb1, outb2, outb3)
        wid = lax.axis_index("s") * _NC + lax.axis_index("c")
        nblk = _CT // 2
        b_lo = (nblk * wid) // _NW
        b_hi = (nblk * (wid + 1)) // _NW
        nrounds = (b_hi - b_lo + 3) // 4

        gsems = (gi0, gi1, gi2, gi3)
        wsems = (wo0, wo1, wo2, wo3)
        iota32 = lax.iota(jnp.int32, _LANE) * EMB_DIM

        def block_in(t, b, j):
            return pltpu.make_async_copy(
                wt_hbm.at[t, pl.ds(0, 32), pl.ds(b * 256, 256)],
                inb.at[j],
                gsems[j],
            )

        def block_out(t, b, j):
            return pltpu.make_async_copy(
                outbs[j],
                out_hbm.at[pl.ds((t * _MAIN + b * 256) * EMB_DIM, 8192)],
                wsems[j],
            )

        def transpose(j, groups):
            @pl.loop(0, 32)
            def _(d):
                base = iota32 + d
                vs = [
                    inb[j, d, pl.ds(i * _LANE, _LANE)] for i in range(groups)
                ]
                for i in range(groups):
                    plsc.store_scatter(
                        outbs[j], [base + i * _LANE * EMB_DIM], vs[i]
                    )

        @pl.loop(0, N_TABLES)
        def t_loop(t):
            @pl.loop(0, nrounds)
            def b_loop(r):
                for j in range(4):
                    b = b_lo + r * 4 + j

                    @pl.when(b < b_hi)
                    def _(t=t, b=b, j=j, r=r):
                        @pl.when((r > 0) | (t > 0))
                        def _():
                            block_out(t, b - 4, j).wait()

                        block_in(t, b, j).start()

                for j in range(4):
                    b = b_lo + r * 4 + j

                    @pl.when(b < b_hi)
                    def _(t=t, b=b, j=j):
                        block_in(t, b, j).wait()
                        pass
                        block_out(t, b, j).start()

        for j in range(4):
            @pl.when((b_lo + j) < b_hi)
            def _(j=j):
                block_out(0, b_lo, j).wait()

        @pl.when(wid < N_TABLES)
        def _():
            pltpu.sync_copy(
                wt_hbm.at[wid, pl.ds(0, 32), pl.ds(_MAIN - 128, 128)],
                inb.at[0, pl.ds(0, 32), pl.ds(0, 128)],
            )
            transpose(0, 8)
            pltpu.sync_copy(
                outbs[0].at[pl.ds(0, 4096)],
                out_hbm.at[pl.ds((wid * _MAIN + _MAIN - 128) * EMB_DIM, 4096)],
            )

        @pl.when(wid < N_TABLES)
        def _():
            tb = _TAIL * EMB_DIM
            pltpu.sync_copy(tw_hbm.at[pl.ds(wid * tb, tb)], tailv)
            pltpu.sync_copy(
                tailv,
                out_hbm.at[pl.ds((_MAINROWS + wid * _TAIL) * EMB_DIM, tb)],
            )

    return ka(wt, twflat)


def _wide_embed(x_flat, w2, rep, offm, offt, *, total):
    bc = total // _NW
    rounds = bc // (2 * _R)

    mesh = plsc.VectorSubcoreMesh(core_axis_name="c", subcore_axis_name="s")

    @functools.partial(
        pl.kernel,
        mesh=mesh,
        out_type=jax.ShapeDtypeStruct((total * N_TABLES, EMB_DIM), jnp.float32),
        scratch_types=[
            pltpu.VMEM((bc,), jnp.int32),
            pltpu.VMEM((_KK,), jnp.int32),
            pltpu.VMEM((_KK,), jnp.int32),
            pltpu.VMEM((_KK,), jnp.int32),
            pltpu.VMEM((2, _KK), jnp.int32),
            pltpu.VMEM((2, _KK, EMB_DIM), jnp.float32),
            pltpu.SemaphoreType.DMA,
            pltpu.SemaphoreType.DMA,
            pltpu.SemaphoreType.DMA,
            pltpu.SemaphoreType.DMA,
        ],
        compiler_params=pltpu.CompilerParams(
            use_tc_tiling_on_sc=False, needs_layout_passes=False
        ),
    )
    def k(
        w_hbm, idx_hbm, rep_hbm, offm_hbm, offt_hbm, out_hbm,
        idx_v, rep_v, offm_v, offt_v, idx2_v, rows_v, g0, g1, w0, w1,
    ):
        wid = lax.axis_index("s") * _NC + lax.axis_index("c")
        base = wid * bc
        pltpu.sync_copy(idx_hbm.at[pl.ds(base, bc)], idx_v)
        pltpu.sync_copy(rep_hbm, rep_v)
        pltpu.sync_copy(offm_hbm, offm_v)
        pltpu.sync_copy(offt_hbm, offt_v)

        gsems = (g0, g1)
        wsems = (w0, w1)

        def build(j, c):
            rowbase = c * _R

            @pl.loop(0, _GROUPS)
            def _(gi):
                sl = pl.ds(gi * _LANE, _LANE)
                row = rowbase + rep_v[sl]
                xg = plsc.load_gather(idx_v, [row])
                idx2_v[j, sl] = jnp.where(
                    xg < _MAIN, xg + offm_v[sl], xg + offt_v[sl]
                )

        def gather(j):
            pltpu.async_copy(w_hbm.at[idx2_v.at[j]], rows_v.at[j], gsems[j])

        def gather_wait(j):
            pltpu.make_async_copy(
                w_hbm.at[idx2_v.at[j]], rows_v.at[j], gsems[j]
            ).wait()

        def wb(j, c):
            return pltpu.make_async_copy(
                rows_v.at[j],
                out_hbm.at[pl.ds((base + c * _R) * N_TABLES, _KK)],
                wsems[j],
            )

        @pl.loop(0, rounds)
        def round_loop(r):
            for j in range(2):
                @pl.when(r > 0)
                def _(j=j):
                    wb(j, (r - 1) * 2 + j).wait()

                build(j, r * 2 + j)
                gather(j)
            for j in range(2):
                gather_wait(j)
                wb(j, r * 2 + j).start()

        for j in range(2):
            wb(j, (rounds - 1) * 2 + j).wait()

    return k(w2, x_flat, rep, offm, offt)


def kernel(x, weight):
    B, T = x.shape
    total = B * T
    wt = jnp.transpose(weight, (0, 2, 1))
    twflat = weight[:, _MAIN:, :].reshape(N_TABLES * _TAIL * EMB_DIM)
    wflat = _linearize(wt, twflat)
    w2 = wflat.reshape(N_TABLES * NUM_EMB, EMB_DIM)

    karr = jnp.arange(_KK, dtype=jnp.int32)
    tk = karr % N_TABLES
    rep = karr // N_TABLES
    offm = tk * _MAIN
    offt = _MAINROWS + tk * _TAIL - _MAIN
    out = _wide_embed(x.reshape(total), w2, rep, offm, offt, total=total)
    return out.reshape(B, T, N_TABLES * EMB_DIM)

# --- scband reference (transcript-rebuilt; emitter-appended) ---
"""Pipeline reference for scband-wide-embedding-9405978378494 (READ-ONLY COPY).

The authoritative reference and input builder live on the scoring server;
editing this copy changes nothing except your own understanding.
"""

import jax, jax.numpy as jnp
import numpy as np

N_TABLES = 26
NUM_EMB = 100000
EMB_DIM = 32

def setup_inputs(seed: int = 0) -> dict:
    key = jax.random.key(seed)
    k1, k2 = jax.random.split(key)
    x = jax.random.randint(k1, (4096, 20), 0, NUM_EMB, dtype=jnp.int64 if jax.config.jax_enable_x64 else jnp.int32).astype(jnp.int32)
    weight = jax.random.normal(k2, (N_TABLES, NUM_EMB, EMB_DIM), dtype=jnp.float32)
    return {"x": x, "weight": weight}

def reference(x, weight):
    # Faithful to WideEmbedding.forward: n parallel embedding lookups on the
    # same index tensor, concatenated along the last dim.
    outs = [jnp.take(weight[i], x, axis=0) for i in range(N_TABLES)]  # each [B, T, d]
    out = jnp.concatenate(outs, axis=-1)  # [B, T, n*d]
    return out

if __name__ == "__main__":
    import jax
    _d = setup_inputs()
    print(jax.jit(kernel)(*tuple(_d.values())))

</pallas_src>

<mosaic_0001>
#map = affine_map<(d0, d1) -> (0, 0, 0)>
#map1 = affine_map<(d0, d1) -> (0)>
module attributes {stable_mosaic.version = 14 : i64} {
  func.func @ka(%arg0: i32, %arg1: i32, %arg2: memref<26x32x100000xf32, #tpu.memory_space<hbm>>, %arg3: memref<26624xf32, #tpu.memory_space<hbm>>, %arg4: memref<83200000xf32, #tpu.memory_space<hbm>>, %arg5: memref<4x32x256xf32, #tpu.memory_space<vmem>>, %arg6: memref<8192xf32, #tpu.memory_space<vmem>>, %arg7: memref<8192xf32, #tpu.memory_space<vmem>>, %arg8: memref<8192xf32, #tpu.memory_space<vmem>>, %arg9: memref<8192xf32, #tpu.memory_space<vmem>>, %arg10: memref<1024xf32, #tpu.memory_space<vmem>>, %arg11: memref<!tpu.dma_semaphore, #tpu.memory_space<semaphore_mem>>, %arg12: memref<!tpu.dma_semaphore, #tpu.memory_space<semaphore_mem>>, %arg13: memref<!tpu.dma_semaphore, #tpu.memory_space<semaphore_mem>>, %arg14: memref<!tpu.dma_semaphore, #tpu.memory_space<semaphore_mem>>, %arg15: memref<!tpu.dma_semaphore, #tpu.memory_space<semaphore_mem>>, %arg16: memref<!tpu.dma_semaphore, #tpu.memory_space<semaphore_mem>>, %arg17: memref<!tpu.dma_semaphore, #tpu.memory_space<semaphore_mem>>, %arg18: memref<!tpu.dma_semaphore, #tpu.memory_space<semaphore_mem>>) attributes {dimension_semantics = [#tpu.dimension_semantics<core_parallel>, #tpu.dimension_semantics<subcore_parallel>], iteration_bounds = array<i64: 2, 16>, scalar_prefetch = 0 : i64, scratch_operands = 14 : i64, tpu.core_type = #tpu.core_type<sc_vector_subcore>, window_params = [{transform_indices = #map}, {transform_indices = #map1}, {transform_indices = #map1}]} {
    %mul3A = arith.constant 2 : i32
    %mul3A_0 = arith.muli %arg1, %mul3A : i32
    %add3A = arith.addi %mul3A_0, %arg0 : i32
    %mul3A_1 = arith.constant 390 : i32
    %mul3A_2 = arith.muli %mul3A_1, %add3A : i32
    %jit3A = arith.constant 32 : i32
    %div3A = arith.divsi %mul3A_2, %jit3A : i32
    %sign3A = arith.constant 0 : i32
    %sign3A_3 = arith.cmpi sgt, %mul3A_2, %sign3A : i32
    %sign3A_4 = arith.extui %sign3A_3 : i1 to i32
    %sign3A_5 = arith.constant 0 : i32
    %sign3A_6 = arith.cmpi slt, %mul3A_2, %sign3A_5 : i32
    %sign3A_7 = arith.extui %sign3A_6 : i1 to i32
    %sign3A_8 = arith.subi %sign3A_4, %sign3A_7 : i32
    %sign3A_9 = arith.constant 0 : i32
    %sign3A_10 = arith.cmpi sgt, %jit3A, %sign3A_9 : i32
    %sign3A_11 = arith.extui %sign3A_10 : i1 to i32
    %sign3A_12 = arith.constant 0 : i32
    %sign3A_13 = arith.cmpi slt, %jit3A, %sign3A_12 : i32
    %sign3A_14 = arith.extui %sign3A_13 : i1 to i32
    %sign3A_15 = arith.subi %sign3A_11, %sign3A_14 : i32
    %ne3A = arith.cmpi ne, %sign3A_8, %sign3A_15 : i32
    %rem3A = arith.remsi %mul3A_2, %jit3A : i32
    %ne3A_16 = arith.constant 0 : i32
    %ne3A_17 = arith.cmpi ne, %rem3A, %ne3A_16 : i32
    %and3A = arith.andi %ne3A, %ne3A_17 : i1
    %sub3A = arith.constant 1 : i32
    %sub3A_18 = arith.subi %div3A, %sub3A : i32
    %select_n3A = arith.select %and3A, %sub3A_18, %div3A : i32
    %add3A_19 = arith.constant 1 : i32
    %add3A_20 = arith.addi %add3A, %add3A_19 : i32
    %mul3A_21 = arith.constant 390 : i32
    %mul3A_22 = arith.muli %mul3A_21, %add3A_20 : i32
    %jit3A_23 = arith.constant 32 : i32
    %div3A_24 = arith.divsi %mul3A_22, %jit3A_23 : i32
    %sign3A_25 = arith.constant 0 : i32
    %sign3A_26 = arith.cmpi sgt, %mul3A_22, %sign3A_25 : i32
    %sign3A_27 = arith.extui %sign3A_26 : i1 to i32
    %sign3A_28 = arith.constant 0 : i32
    %sign3A_29 = arith.cmpi slt, %mul3A_22, %sign3A_28 : i32
    %sign3A_30 = arith.extui %sign3A_29 : i1 to i32
    %sign3A_31 = arith.subi %sign3A_27, %sign3A_30 : i32
    %sign3A_32 = arith.constant 0 : i32
    %sign3A_33 = arith.cmpi sgt, %jit3A_23, %sign3A_32 : i32
    %sign3A_34 = arith.extui %sign3A_33 : i1 to i32
    %sign3A_35 = arith.constant 0 : i32
    %sign3A_36 = arith.cmpi slt, %jit3A_23, %sign3A_35 : i32
    %sign3A_37 = arith.extui %sign3A_36 : i1 to i32
    %sign3A_38 = arith.subi %sign3A_34, %sign3A_37 : i32
    %ne3A_39 = arith.cmpi ne, %sign3A_31, %sign3A_38 : i32
    %rem3A_40 = arith.remsi %mul3A_22, %jit3A_23 : i32
    %ne3A_41 = arith.constant 0 : i32
    %ne3A_42 = arith.cmpi ne, %rem3A_40, %ne3A_41 : i32
    %and3A_43 = arith.andi %ne3A_39, %ne3A_42 : i1
    %sub3A_44 = arith.constant 1 : i32
    %sub3A_45 = arith.subi %div3A_24, %sub3A_44 : i32
    %select_n3A_46 = arith.select %and3A_43, %sub3A_45, %div3A_24 : i32
    %sub3A_47 = arith.subi %select_n3A_46, %select_n3A : i32
    %add3A_48 = arith.constant 3 : i32
    %add3A_49 = arith.addi %sub3A_47, %add3A_48 : i32
    %jit3A_50 = arith.constant 4 : i32
    %div3A_51 = arith.divsi %add3A_49, %jit3A_50 : i32
    %sign3A_52 = arith.constant 0 : i32
    %sign3A_53 = arith.cmpi sgt, %add3A_49, %sign3A_52 : i32
    %sign3A_54 = arith.extui %sign3A_53 : i1 to i32
    %sign3A_55 = arith.constant 0 : i32
    %sign3A_56 = arith.cmpi slt, %add3A_49, %sign3A_55 : i32
    %sign3A_57 = arith.extui %sign3A_56 : i1 to i32
    %sign3A_58 = arith.subi %sign3A_54, %sign3A_57 : i32
    %sign3A_59 = arith.constant 0 : i32
    %sign3A_60 = arith.cmpi sgt, %jit3A_50, %sign3A_59 : i32
    %sign3A_61 = arith.extui %sign3A_60 : i1 to i32
    %sign3A_62 = arith.constant 0 : i32
    %sign3A_63 = arith.cmpi slt, %jit3A_50, %sign3A_62 : i32
    %sign3A_64 = arith.extui %sign3A_63 : i1 to i32
    %sign3A_65 = arith.subi %sign3A_61, %sign3A_64 : i32
    %ne3A_66 = arith.cmpi ne, %sign3A_58, %sign3A_65 : i32
    %rem3A_67 = arith.remsi %add3A_49, %jit3A_50 : i32
    %ne3A_68 = arith.constant 0 : i32
    %ne3A_69 = arith.cmpi ne, %rem3A_67, %ne3A_68 : i32
    %and3A_70 = arith.andi %ne3A_66, %ne3A_69 : i1
    %sub3A_71 = arith.constant 1 : i32
    %sub3A_72 = arith.subi %div3A_51, %sub3A_71 : i32
    %select_n3A_73 = arith.select %and3A_70, %sub3A_72, %div3A_51 : i32
    %iota3A = tpu.iota {dimensions = array<i32: 0>} : vector<16xi32>
    %mul3A_74 = arith.constant 32 : i32
    %mul3A_75 = vector.broadcast %mul3A_74 : i32 to vector<16xi32>
    %mul3A_76 = arith.muli %iota3A, %mul3A_75 : vector<16xi32>
    %scan3A = arith.constant 0 : i32
    %scan3A_77 = arith.constant 26 : i32
    %scan3A_78 = arith.addi %scan3A, %scan3A_77 : i32
    %scan3A_79 = arith.constant 1 : i32
    scf.for %scan3A_112 = %scan3A to %scan3A_78 step %scan3A_79  : i32 {
      %mul3A_113 = arith.constant 1 : i32
      %mul3A_114 = arith.muli %scan3A_112, %mul3A_113 : i32
      %add3A_115 = arith.constant 0 : i32
      %add3A_116 = arith.addi %add3A_115, %mul3A_114 : i32
      %sub3A_117 = arith.constant 0 : i32
      %sub3A_118 = arith.subi %select_n3A_73, %sub3A_117 : i32
      %sub3A_119 = arith.constant 1 : i32
      %sub3A_120 = arith.constant 1 : i32
      %sub3A_121 = arith.subi %sub3A_119, %sub3A_120 : i32
      %add3A_122 = arith.addi %sub3A_118, %sub3A_121 : i32
      %div3A_123 = arith.constant 1 : i32
      %div3A_124 = arith.divsi %add3A_122, %div3A_123 : i32
      %while3A = arith.constant 1 : i32
      %while3A_125 = arith.constant 0 : i32
      %while3A_126 = arith.constant 0 : i32
      %while3A_127 = arith.subi %div3A_124, %while3A_126 : i32
      %while3A_128 = arith.addi %while3A_126, %while3A_127 : i32
      %while3A_129 = arith.constant 1 : i32
      %while3A_130 = arith.divsi %while3A_127, %while3A_129 : i32
      %while3A_131 = arith.muli %while3A_130, %while3A_129 : i32
      %while3A_132 = arith.addi %while3A_126, %while3A_131 : i32
      %while3A_133 = arith.constant 1 : i32
      scf.for %while3A_135 = %while3A_126 to %while3A_132 step %while3A_133  : i32 {
        %mul3A_136 = arith.muli %while3A_135, %while3A : i32
        %add3A_137 = arith.addi %while3A_125, %mul3A_136 : i32
        %mul3A_138 = arith.constant 4 : i32
        %mul3A_139 = arith.muli %add3A_137, %mul3A_138 : i32
        %add3A_140 = arith.addi %select_n3A, %mul3A_139 : i32
        %add3A_141 = arith.constant 0 : i32
        %add3A_142 = arith.addi %add3A_140, %add3A_141 : i32
        %lt3A_143 = arith.cmpi slt, %add3A_142, %select_n3A_46 : i32
        %convert_element_type3A_144 = arith.extui %lt3A_143 : i1 to i32
        %cond3A_145 = arith.constant 0 : i32
        %cond3A_146 = arith.cmpi ne, %convert_element_type3A_144, %cond3A_145 : i32
        scf.if %cond3A_146 {
          %gt3A = arith.constant 0 : i32
          %gt3A_210 = arith.cmpi sgt, %add3A_137, %gt3A : i32
          %gt3A_211 = arith.constant 0 : i32
          %gt3A_212 = arith.cmpi sgt, %add3A_116, %gt3A_211 : i32
          %or3A = arith.ori %gt3A_210, %gt3A_212 : i1
          %convert_element_type3A_213 = arith.extui %or3A : i1 to i32
          %cond3A_214 = arith.constant 0 : i32
          %cond3A_215 = arith.cmpi ne, %convert_element_type3A_213, %cond3A_214 : i32
          scf.if %cond3A_215 {
            %sub3A_232 = arith.constant 4 : i32
            %sub3A_233 = arith.subi %add3A_142, %sub3A_232 : i32
            %mul3A_234 = arith.constant 99968 : i32
            %mul3A_235 = arith.muli %add3A_116, %mul3A_234 : i32
            %mul3A_236 = arith.constant 256 : i32
            %mul3A_237 = arith.muli %sub3A_233, %mul3A_236 : i32
            %add3A_238 = arith.addi %mul3A_235, %mul3A_237 : i32
            %mul3A_239 = arith.constant 32 : i32
            %mul3A_240 = arith.muli %add3A_238, %mul3A_239 : i32
            %dma_wait3A = tpu.memref_slice %arg4[%mul3A_240] : memref<83200000xf32, #tpu.memory_space<hbm>> -> memref<8192xf32, #tpu.memory_space<hbm>>
            %dma_wait3A_241 = tpu.memref_slice %arg4[%mul3A_240] : memref<83200000xf32, #tpu.memory_space<hbm>> -> memref<8192xf32, #tpu.memory_space<hbm>>
            tpu.wait_dma2 semaphore(%arg15 : memref<!tpu.dma_semaphore, #tpu.memory_space<semaphore_mem>>) src(%arg6 : memref<8192xf32, #tpu.memory_space<vmem>>) dst(%dma_wait3A_241 : memref<8192xf32, #tpu.memory_space<hbm>>)
          } else {
          }
          %mul3A_216 = arith.constant 256 : i32
          %mul3A_217 = arith.muli %add3A_142, %mul3A_216 : i32
          %dma_start3A = arith.constant 0 : i32
          %dma_start3A_218 = arith.constant 0 : i32
          %dma_start3A_219 = arith.constant 0 : i32
          %dma_start3A_220 = tpu.memref_slice %arg5[%dma_start3A, %dma_start3A_218, %dma_start3A_219] : memref<4x32x256xf32, #tpu.memory_space<vmem>> -> memref<1x32x256xf32, #tpu.memory_space<vmem>>
          %dma_start3A_221 = tpu.memref_squeeze %dma_start3A_220 : memref<1x32x256xf32, #tpu.memory_space<vmem>> -> memref<32x256xf32, #tpu.memory_space<vmem>>
          %dma_start3A_222 = arith.constant 0 : i32
          %dma_start3A_223 = tpu.memref_slice %arg2[%add3A_116, %dma_start3A_222, %mul3A_217] : memref<26x32x100000xf32, #tpu.memory_space<hbm>> -> memref<1x32x256xf32, #tpu.memory_space<hbm>>
          %dma_start3A_224 = tpu.memref_squeeze %dma_start3A_223 : memref<1x32x256xf32, #tpu.memory_space<hbm>> -> memref<32x256xf32, #tpu.memory_space<hbm>>
          %dma_start3A_225 = arith.constant 0 : i32
          %dma_start3A_226 = arith.constant 0 : i32
          %dma_start3A_227 = tpu.memref_slice %arg5[%dma_start3A, %dma_start3A_225, %dma_start3A_226] : memref<4x32x256xf32, #tpu.memory_space<vmem>> -> memref<1x32x256xf32, #tpu.memory_space<vmem>>
          %dma_start3A_228 = tpu.memref_squeeze %dma_start3A_227 : memref<1x32x256xf32, #tpu.memory_space<vmem>> -> memref<32x256xf32, #tpu.memory_space<vmem>>
          %dma_start3A_229 = arith.constant 0 : i32
          %dma_start3A_230 = tpu.memref_slice %arg2[%add3A_116, %dma_start3A_229, %mul3A_217] : memref<26x32x100000xf32, #tpu.memory_space<hbm>> -> memref<1x32x256xf32, #tpu.memory_space<hbm>>
          %dma_start3A_231 = tpu.memref_squeeze %dma_start3A_230 : memref<1x32x256xf32, #tpu.memory_space<hbm>> -> memref<32x256xf32, #tpu.memory_space<hbm>>
          tpu.enqueue_dma source(%dma_start3A_231 : memref<32x256xf32, #tpu.memory_space<hbm>>) target(%dma_start3A_228 : memref<32x256xf32, #tpu.memory_space<vmem>>) target_semaphore(%arg11 : memref<!tpu.dma_semaphore, #tpu.memory_space<semaphore_mem>>)
        } else {
        }
        %mul3A_147 = arith.constant 4 : i32
        %mul3A_148 = arith.muli %add3A_137, %mul3A_147 : i32
        %add3A_149 = arith.addi %select_n3A, %mul3A_148 : i32
        %add3A_150 = arith.constant 1 : i32
        %add3A_151 = arith.addi %add3A_149, %add3A_150 : i32
        %lt3A_152 = arith.cmpi slt, %add3A_151, %select_n3A_46 : i32
        %convert_element_type3A_153 = arith.extui %lt3A_152 : i1 to i32
        %cond3A_154 = arith.constant 0 : i32
        %cond3A_155 = arith.cmpi ne, %convert_element_type3A_153, %cond3A_154 : i32
        scf.if %cond3A_155 {
          %gt3A = arith.constant 0 : i32
          %gt3A_210 = arith.cmpi sgt, %add3A_137, %gt3A : i32
          %gt3A_211 = arith.constant 0 : i32
          %gt3A_212 = arith.cmpi sgt, %add3A_116, %gt3A_211 : i32
          %or3A = arith.ori %gt3A_210, %gt3A_212 : i1
          %convert_element_type3A_213 = arith.extui %or3A : i1 to i32
          %cond3A_214 = arith.constant 0 : i32
          %cond3A_215 = arith.cmpi ne, %convert_element_type3A_213, %cond3A_214 : i32
          scf.if %cond3A_215 {
            %sub3A_232 = arith.constant 4 : i32
            %sub3A_233 = arith.subi %add3A_151, %sub3A_232 : i32
            %mul3A_234 = arith.constant 99968 : i32
            %mul3A_235 = arith.muli %add3A_116, %mul3A_234 : i32
            %mul3A_236 = arith.constant 256 : i32
            %mul3A_237 = arith.muli %sub3A_233, %mul3A_236 : i32
            %add3A_238 = arith.addi %mul3A_235, %mul3A_237 : i32
            %mul3A_239 = arith.constant 32 : i32
            %mul3A_240 = arith.muli %add3A_238, %mul3A_239 : i32
            %dma_wait3A = tpu.memref_slice %arg4[%mul3A_240] : memref<83200000xf32, #tpu.memory_space<hbm>> -> memref<8192xf32, #tpu.memory_space<hbm>>
            %dma_wait3A_241 = tpu.memref_slice %arg4[%mul3A_240] : memref<83200000xf32, #tpu.memory_space<hbm>> -> memref<8192xf32, #tpu.memory_space<hbm>>
            tpu.wait_dma2 semaphore(%arg16 : memref<!tpu.dma_semaphore, #tpu.memory_space<semaphore_mem>>) src(%arg7 : memref<8192xf32, #tpu.memory_space<vmem>>) dst(%dma_wait3A_241 : memref<8192xf32, #tpu.memory_space<hbm>>)
          } else {
          }
          %mul3A_216 = arith.constant 256 : i32
          %mul3A_217 = arith.muli %add3A_151, %mul3A_216 : i32
          %dma_start3A = arith.constant 1 : i32
          %dma_start3A_218 = arith.constant 0 : i32
          %dma_start3A_219 = arith.constant 0 : i32
          %dma_start3A_220 = tpu.memref_slice %arg5[%dma_start3A, %dma_start3A_218, %dma_start3A_219] : memref<4x32x256xf32, #tpu.memory_space<vmem>> -> memref<1x32x256xf32, #tpu.memory_space<vmem>>
          %dma_start3A_221 = tpu.memref_squeeze %dma_start3A_220 : memref<1x32x256xf32, #tpu.memory_space<vmem>> -> memref<32x256xf32, #tpu.memory_space<vmem>>
          %dma_start3A_222 = arith.constant 0 : i32
          %dma_start3A_223 = tpu.memref_slice %arg2[%add3A_116, %dma_start3A_222, %mul3A_217] : memref<26x32x100000xf32, #tpu.memory_space<hbm>> -> memref<1x32x256xf32, #tpu.memory_space<hbm>>
          %dma_start3A_224 = tpu.memref_squeeze %dma_start3A_223 : memref<1x32x256xf32, #tpu.memory_space<hbm>> -> memref<32x256xf32, #tpu.memory_space<hbm>>
          %dma_start3A_225 = arith.constant 0 : i32
          %dma_start3A_226 = arith.constant 0 : i32
          %dma_start3A_227 = tpu.memref_slice %arg5[%dma_start3A, %dma_start3A_225, %dma_start3A_226] : memref<4x32x256xf32, #tpu.memory_space<vmem>> -> memref<1x32x256xf32, #tpu.memory_space<vmem>>
          %dma_start3A_228 = tpu.memref_squeeze %dma_start3A_227 : memref<1x32x256xf32, #tpu.memory_space<vmem>> -> memref<32x256xf32, #tpu.memory_space<vmem>>
          %dma_start3A_229 = arith.constant 0 : i32
          %dma_start3A_230 = tpu.memref_slice %arg2[%add3A_116, %dma_start3A_229, %mul3A_217] : memref<26x32x100000xf32, #tpu.memory_space<hbm>> -> memref<1x32x256xf32, #tpu.memory_space<hbm>>
          %dma_start3A_231 = tpu.memref_squeeze %dma_start3A_230 : memref<1x32x256xf32, #tpu.memory_space<hbm>> -> memref<32x256xf32, #tpu.memory_space<hbm>>
          tpu.enqueue_dma source(%dma_start3A_231 : memref<32x256xf32, #tpu.memory_space<hbm>>) target(%dma_start3A_228 : memref<32x256xf32, #tpu.memory_space<vmem>>) target_semaphore(%arg12 : memref<!tpu.dma_semaphore, #tpu.memory_space<semaphore_mem>>)
        } else {
        }
        %mul3A_156 = arith.constant 4 : i32
        %mul3A_157 = arith.muli %add3A_137, %mul3A_156 : i32
        %add3A_158 = arith.addi %select_n3A, %mul3A_157 : i32
        %add3A_159 = arith.constant 2 : i32
        %add3A_160 = arith.addi %add3A_158, %add3A_159 : i32
        %lt3A_161 = arith.cmpi slt, %add3A_160, %select_n3A_46 : i32
        %convert_element_type3A_162 = arith.extui %lt3A_161 : i1 to i32
        %cond3A_163 = arith.constant 0 : i32
        %cond3A_164 = arith.cmpi ne, %convert_element_type3A_162, %cond3A_163 : i32
        scf.if %cond3A_164 {
          %gt3A = arith.constant 0 : i32
          %gt3A_210 = arith.cmpi sgt, %add3A_137, %gt3A : i32
          %gt3A_211 = arith.constant 0 : i32
          %gt3A_212 = arith.cmpi sgt, %add3A_116, %gt3A_211 : i32
          %or3A = arith.ori %gt3A_210, %gt3A_212 : i1
          %convert_element_type3A_213 = arith.extui %or3A : i1 to i32
          %cond3A_214 = arith.constant 0 : i32
          %cond3A_215 = arith.cmpi ne, %convert_element_type3A_213, %cond3A_214 : i32
          scf.if %cond3A_215 {
            %sub3A_232 = arith.constant 4 : i32
            %sub3A_233 = arith.subi %add3A_160, %sub3A_232 : i32
            %mul3A_234 = arith.constant 99968 : i32
            %mul3A_235 = arith.muli %add3A_116, %mul3A_234 : i32
            %mul3A_236 = arith.constant 256 : i32
            %mul3A_237 = arith.muli %sub3A_233, %mul3A_236 : i32
            %add3A_238 = arith.addi %mul3A_235, %mul3A_237 : i32
            %mul3A_239 = arith.constant 32 : i32
            %mul3A_240 = arith.muli %add3A_238, %mul3A_239 : i32
            %dma_wait3A = tpu.memref_slice %arg4[%mul3A_240] : memref<83200000xf32, #tpu.memory_space<hbm>> -> memref<8192xf32, #tpu.memory_space<hbm>>
            %dma_wait3A_241 = tpu.memref_slice %arg4[%mul3A_240] : memref<83200000xf32, #tpu.memory_space<hbm>> -> memref<8192xf32, #tpu.memory_space<hbm>>
            tpu.wait_dma2 semaphore(%arg17 : memref<!tpu.dma_semaphore, #tpu.memory_space<semaphore_mem>>) src(%arg8 : memref<8192xf32, #tpu.memory_space<vmem>>) dst(%dma_wait3A_241 : memref<8192xf32, #tpu.memory_space<hbm>>)
          } else {
          }
          %mul3A_216 = arith.constant 256 : i32
          %mul3A_217 = arith.muli %add3A_160, %mul3A_216 : i32
          %dma_start3A = arith.constant 2 : i32
          %dma_start3A_218 = arith.constant 0 : i32
          %dma_start3A_219 = arith.constant 0 : i32
          %dma_start3A_220 = tpu.memref_slice %arg5[%dma_start3A, %dma_start3A_218, %dma_start3A_219] : memref<4x32x256xf32, #tpu.memory_space<vmem>> -> memref<1x32x256xf32, #tpu.memory_space<vmem>>
          %dma_start3A_221 = tpu.memref_squeeze %dma_start3A_220 : memref<1x32x256xf32, #tpu.memory_space<vmem>> -> memref<32x256xf32, #tpu.memory_space<vmem>>
          %dma_start3A_222 = arith.constant 0 : i32
          %dma_start3A_223 = tpu.memref_slice %arg2[%add3A_116, %dma_start3A_222, %mul3A_217] : memref<26x32x100000xf32, #tpu.memory_space<hbm>> -> memref<1x32x256xf32, #tpu.memory_space<hbm>>
          %dma_start3A_224 = tpu.memref_squeeze %dma_start3A_223 : memref<1x32x256xf32, #tpu.memory_space<hbm>> -> memref<32x256xf32, #tpu.memory_space<hbm>>
          %dma_start3A_225 = arith.constant 0 : i32
          %dma_start3A_226 = arith.constant 0 : i32
          %dma_start3A_227 = tpu.memref_slice %arg5[%dma_start3A, %dma_start3A_225, %dma_start3A_226] : memref<4x32x256xf32, #tpu.memory_space<vmem>> -> memref<1x32x256xf32, #tpu.memory_space<vmem>>
          %dma_start3A_228 = tpu.memref_squeeze %dma_start3A_227 : memref<1x32x256xf32, #tpu.memory_space<vmem>> -> memref<32x256xf32, #tpu.memory_space<vmem>>
          %dma_start3A_229 = arith.constant 0 : i32
          %dma_start3A_230 = tpu.memref_slice %arg2[%add3A_116, %dma_start3A_229, %mul3A_217] : memref<26x32x100000xf32, #tpu.memory_space<hbm>> -> memref<1x32x256xf32, #tpu.memory_space<hbm>>
          %dma_start3A_231 = tpu.memref_squeeze %dma_start3A_230 : memref<1x32x256xf32, #tpu.memory_space<hbm>> -> memref<32x256xf32, #tpu.memory_space<hbm>>
          tpu.enqueue_dma source(%dma_start3A_231 : memref<32x256xf32, #tpu.memory_space<hbm>>) target(%dma_start3A_228 : memref<32x256xf32, #tpu.memory_space<vmem>>) target_semaphore(%arg13 : memref<!tpu.dma_semaphore, #tpu.memory_space<semaphore_mem>>)
        } else {
        }
        %mul3A_165 = arith.constant 4 : i32
        %mul3A_166 = arith.muli %add3A_137, %mul3A_165 : i32
        %add3A_167 = arith.addi %select_n3A, %mul3A_166 : i32
        %add3A_168 = arith.constant 3 : i32
        %add3A_169 = arith.addi %add3A_167, %add3A_168 : i32
        %lt3A_170 = arith.cmpi slt, %add3A_169, %select_n3A_46 : i32
        %convert_element_type3A_171 = arith.extui %lt3A_170 : i1 to i32
        %cond3A_172 = arith.constant 0 : i32
        %cond3A_173 = arith.cmpi ne, %convert_element_type3A_171, %cond3A_172 : i32
        scf.if %cond3A_173 {
          %gt3A = arith.constant 0 : i32
          %gt3A_210 = arith.cmpi sgt, %add3A_137, %gt3A : i32
          %gt3A_211 = arith.constant 0 : i32
          %gt3A_212 = arith.cmpi sgt, %add3A_116, %gt3A_211 : i32
          %or3A = arith.ori %gt3A_210, %gt3A_212 : i1
          %convert_element_type3A_213 = arith.extui %or3A : i1 to i32
          %cond3A_214 = arith.constant 0 : i32
          %cond3A_215 = arith.cmpi ne, %convert_element_type3A_213, %cond3A_214 : i32
          scf.if %cond3A_215 {
            %sub3A_232 = arith.constant 4 : i32
            %sub3A_233 = arith.subi %add3A_169, %sub3A_232 : i32
            %mul3A_234 = arith.constant 99968 : i32
            %mul3A_235 = arith.muli %add3A_116, %mul3A_234 : i32
            %mul3A_236 = arith.constant 256 : i32
            %mul3A_237 = arith.muli %sub3A_233, %mul3A_236 : i32
            %add3A_238 = arith.addi %mul3A_235, %mul3A_237 : i32
            %mul3A_239 = arith.constant 32 : i32
            %mul3A_240 = arith.muli %add3A_238, %mul3A_239 : i32
            %dma_wait3A = tpu.memref_slice %arg4[%mul3A_240] : memref<83200000xf32, #tpu.memory_space<hbm>> -> memref<8192xf32, #tpu.memory_space<hbm>>
            %dma_wait3A_241 = tpu.memref_slice %arg4[%mul3A_240] : memref<83200000xf32, #tpu.memory_space<hbm>> -> memref<8192xf32, #tpu.memory_space<hbm>>
            tpu.wait_dma2 semaphore(%arg18 : memref<!tpu.dma_semaphore, #tpu.memory_space<semaphore_mem>>) src(%arg9 : memref<8192xf32, #tpu.memory_space<vmem>>) dst(%dma_wait3A_241 : memref<8192xf32, #tpu.memory_space<hbm>>)
          } else {
          }
          %mul3A_216 = arith.constant 256 : i32
          %mul3A_217 = arith.muli %add3A_169, %mul3A_216 : i32
          %dma_start3A = arith.constant 3 : i32
          %dma_start3A_218 = arith.constant 0 : i32
          %dma_start3A_219 = arith.constant 0 : i32
          %dma_start3A_220 = tpu.memref_slice %arg5[%dma_start3A, %dma_start3A_218, %dma_start3A_219] : memref<4x32x256xf32, #tpu.memory_space<vmem>> -> memref<1x32x256xf32, #tpu.memory_space<vmem>>
          %dma_start3A_221 = tpu.memref_squeeze %dma_start3A_220 : memref<1x32x256xf32, #tpu.memory_space<vmem>> -> memref<32x256xf32, #tpu.memory_space<vmem>>
          %dma_start3A_222 = arith.constant 0 : i32
          %dma_start3A_223 = tpu.memref_slice %arg2[%add3A_116, %dma_start3A_222, %mul3A_217] : memref<26x32x100000xf32, #tpu.memory_space<hbm>> -> memref<1x32x256xf32, #tpu.memory_space<hbm>>
          %dma_start3A_224 = tpu.memref_squeeze %dma_start3A_223 : memref<1x32x256xf32, #tpu.memory_space<hbm>> -> memref<32x256xf32, #tpu.memory_space<hbm>>
          %dma_start3A_225 = arith.constant 0 : i32
          %dma_start3A_226 = arith.constant 0 : i32
          %dma_start3A_227 = tpu.memref_slice %arg5[%dma_start3A, %dma_start3A_225, %dma_start3A_226] : memref<4x32x256xf32, #tpu.memory_space<vmem>> -> memref<1x32x256xf32, #tpu.memory_space<vmem>>
          %dma_start3A_228 = tpu.memref_squeeze %dma_start3A_227 : memref<1x32x256xf32, #tpu.memory_space<vmem>> -> memref<32x256xf32, #tpu.memory_space<vmem>>
          %dma_start3A_229 = arith.constant 0 : i32
          %dma_start3A_230 = tpu.memref_slice %arg2[%add3A_116, %dma_start3A_229, %mul3A_217] : memref<26x32x100000xf32, #tpu.memory_space<hbm>> -> memref<1x32x256xf32, #tpu.memory_space<hbm>>
          %dma_start3A_231 = tpu.memref_squeeze %dma_start3A_230 : memref<1x32x256xf32, #tpu.memory_space<hbm>> -> memref<32x256xf32, #tpu.memory_space<hbm>>
          tpu.enqueue_dma source(%dma_start3A_231 : memref<32x256xf32, #tpu.memory_space<hbm>>) target(%dma_start3A_228 : memref<32x256xf32, #tpu.memory_space<vmem>>) target_semaphore(%arg14 : memref<!tpu.dma_semaphore, #tpu.memory_space<semaphore_mem>>)
        } else {
        }
        %mul3A_174 = arith.constant 4 : i32
        %mul3A_175 = arith.muli %add3A_137, %mul3A_174 : i32
        %add3A_176 = arith.addi %select_n3A, %mul3A_175 : i32
        %add3A_177 = arith.constant 0 : i32
        %add3A_178 = arith.addi %add3A_176, %add3A_177 : i32
        %lt3A_179 = arith.cmpi slt, %add3A_178, %select_n3A_46 : i32
        %convert_element_type3A_180 = arith.extui %lt3A_179 : i1 to i32
        %cond3A_181 = arith.constant 0 : i32
        %cond3A_182 = arith.cmpi ne, %convert_element_type3A_180, %cond3A_181 : i32
        scf.if %cond3A_182 {
          %mul3A_210 = arith.constant 256 : i32
          %mul3A_211 = arith.muli %add3A_178, %mul3A_210 : i32
          %dma_wait3A = arith.constant 0 : i32
          %dma_wait3A_212 = arith.constant 0 : i32
          %dma_wait3A_213 = arith.constant 0 : i32
          %dma_wait3A_214 = tpu.memref_slice %arg5[%dma_wait3A, %dma_wait3A_212, %dma_wait3A_213] : memref<4x32x256xf32, #tpu.memory_space<vmem>> -> memref<1x32x256xf32, #tpu.memory_space<vmem>>
          %dma_wait3A_215 = tpu.memref_squeeze %dma_wait3A_214 : memref<1x32x256xf32, #tpu.memory_space<vmem>> -> memref<32x256xf32, #tpu.memory_space<vmem>>
          %dma_wait3A_216 = arith.constant 0 : i32
          %dma_wait3A_217 = tpu.memref_slice %arg2[%add3A_116, %dma_wait3A_216, %mul3A_211] : memref<26x32x100000xf32, #tpu.memory_space<hbm>> -> memref<1x32x256xf32, #tpu.memory_space<hbm>>
          %dma_wait3A_218 = tpu.memref_squeeze %dma_wait3A_217 : memref<1x32x256xf32, #tpu.memory_space<hbm>> -> memref<32x256xf32, #tpu.memory_space<hbm>>
          %dma_wait3A_219 = arith.constant 0 : i32
          %dma_wait3A_220 = arith.constant 0 : i32
          %dma_wait3A_221 = tpu.memref_slice %arg5[%dma_wait3A, %dma_wait3A_219, %dma_wait3A_220] : memref<4x32x256xf32, #tpu.memory_space<vmem>> -> memref<1x32x256xf32, #tpu.memory_space<vmem>>
          %dma_wait3A_222 = tpu.memref_squeeze %dma_wait3A_221 : memref<1x32x256xf32, #tpu.memory_space<vmem>> -> memref<32x256xf32, #tpu.memory_space<vmem>>
          %dma_wait3A_223 = arith.constant 0 : i32
          %dma_wait3A_224 = tpu.memref_slice %arg2[%add3A_116, %dma_wait3A_223, %mul3A_211] : memref<26x32x100000xf32, #tpu.memory_space<hbm>> -> memref<1x32x256xf32, #tpu.memory_space<hbm>>
          %dma_wait3A_225 = tpu.memref_squeeze %dma_wait3A_224 : memref<1x32x256xf32, #tpu.memory_space<hbm>> -> memref<32x256xf32, #tpu.memory_space<hbm>>
          tpu.wait_dma2 semaphore(%arg11 : memref<!tpu.dma_semaphore, #tpu.memory_space<semaphore_mem>>) src(%dma_wait3A_225 : memref<32x256xf32, #tpu.memory_space<hbm>>) dst(%dma_wait3A_222 : memref<32x256xf32, #tpu.memory_space<vmem>>)
          %mul3A_226 = arith.constant 99968 : i32
          %mul3A_227 = arith.muli %add3A_116, %mul3A_226 : i32
          %mul3A_228 = arith.constant 256 : i32
          %mul3A_229 = arith.muli %add3A_178, %mul3A_228 : i32
          %add3A_230 = arith.addi %mul3A_227, %mul3A_229 : i32
          %mul3A_231 = arith.constant 32 : i32
          %mul3A_232 = arith.muli %add3A_230, %mul3A_231 : i32
          %dma_start3A = tpu.memref_slice %arg4[%mul3A_232] : memref<83200000xf32, #tpu.memory_space<hbm>> -> memref<8192xf32, #tpu.memory_space<hbm>>
          %dma_start3A_233 = tpu.memref_slice %arg4[%mul3A_232] : memref<83200000xf32, #tpu.memory_space<hbm>> -> memref<8192xf32, #tpu.memory_space<hbm>>
          tpu.enqueue_dma source(%arg6 : memref<8192xf32, #tpu.memory_space<vmem>>) target(%dma_start3A_233 : memref<8192xf32, #tpu.memory_space<hbm>>) target_semaphore(%arg15 : memref<!tpu.dma_semaphore, #tpu.memory_space<semaphore_mem>>)
        } else {
        }
        %mul3A_183 = arith.constant 4 : i32
        %mul3A_184 = arith.muli %add3A_137, %mul3A_183 : i32
        %add3A_185 = arith.addi %select_n3A, %mul3A_184 : i32
        %add3A_186 = arith.constant 1 : i32
        %add3A_187 = arith.addi %add3A_185, %add3A_186 : i32
        %lt3A_188 = arith.cmpi slt, %add3A_187, %select_n3A_46 : i32
        %convert_element_type3A_189 = arith.extui %lt3A_188 : i1 to i32
        %cond3A_190 = arith.constant 0 : i32
        %cond3A_191 = arith.cmpi ne, %convert_element_type3A_189, %cond3A_190 : i32
        scf.if %cond3A_191 {
          %mul3A_210 = arith.constant 256 : i32
          %mul3A_211 = arith.muli %add3A_187, %mul3A_210 : i32
          %dma_wait3A = arith.constant 1 : i32
          %dma_wait3A_212 = arith.constant 0 : i32
          %dma_wait3A_213 = arith.constant 0 : i32
          %dma_wait3A_214 = tpu.memref_slice %arg5[%dma_wait3A, %dma_wait3A_212, %dma_wait3A_213] : memref<4x32x256xf32, #tpu.memory_space<vmem>> -> memref<1x32x256xf32, #tpu.memory_space<vmem>>
          %dma_wait3A_215 = tpu.memref_squeeze %dma_wait3A_214 : memref<1x32x256xf32, #tpu.memory_space<vmem>> -> memref<32x256xf32, #tpu.memory_space<vmem>>
          %dma_wait3A_216 = arith.constant 0 : i32
          %dma_wait3A_217 = tpu.memref_slice %arg2[%add3A_116, %dma_wait3A_216, %mul3A_211] : memref<26x32x100000xf32, #tpu.memory_space<hbm>> -> memref<1x32x256xf32, #tpu.memory_space<hbm>>
          %dma_wait3A_218 = tpu.memref_squeeze %dma_wait3A_217 : memref<1x32x256xf32, #tpu.memory_space<hbm>> -> memref<32x256xf32, #tpu.memory_space<hbm>>
          %dma_wait3A_219 = arith.constant 0 : i32
          %dma_wait3A_220 = arith.constant 0 : i32
          %dma_wait3A_221 = tpu.memref_slice %arg5[%dma_wait3A, %dma_wait3A_219, %dma_wait3A_220] : memref<4x32x256xf32, #tpu.memory_space<vmem>> -> memref<1x32x256xf32, #tpu.memory_space<vmem>>
          %dma_wait3A_222 = tpu.memref_squeeze %dma_wait3A_221 : memref<1x32x256xf32, #tpu.memory_space<vmem>> -> memref<32x256xf32, #tpu.memory_space<vmem>>
          %dma_wait3A_223 = arith.constant 0 : i32
          %dma_wait3A_224 = tpu.memref_slice %arg2[%add3A_116, %dma_wait3A_223, %mul3A_211] : memref<26x32x100000xf32, #tpu.memory_space<hbm>> -> memref<1x32x256xf32, #tpu.memory_space<hbm>>
          %dma_wait3A_225 = tpu.memref_squeeze %dma_wait3A_224 : memref<1x32x256xf32, #tpu.memory_space<hbm>> -> memref<32x256xf32, #tpu.memory_space<hbm>>
          tpu.wait_dma2 semaphore(%arg12 : memref<!tpu.dma_semaphore, #tpu.memory_space<semaphore_mem>>) src(%dma_wait3A_225 : memref<32x256xf32, #tpu.memory_space<hbm>>) dst(%dma_wait3A_222 : memref<32x256xf32, #tpu.memory_space<vmem>>)
          %mul3A_226 = arith.constant 99968 : i32
          %mul3A_227 = arith.muli %add3A_116, %mul3A_226 : i32
          %mul3A_228 = arith.constant 256 : i32
          %mul3A_229 = arith.muli %add3A_187, %mul3A_228 : i32
          %add3A_230 = arith.addi %mul3A_227, %mul3A_229 : i32
          %mul3A_231 = arith.constant 32 : i32
          %mul3A_232 = arith.muli %add3A_230, %mul3A_231 : i32
          %dma_start3A = tpu.memref_slice %arg4[%mul3A_232] : memref<83200000xf32, #tpu.memory_space<hbm>> -> memref<8192xf32, #tpu.memory_space<hbm>>
          %dma_start3A_233 = tpu.memref_slice %arg4[%mul3A_232] : memref<83200000xf32, #tpu.memory_space<hbm>> -> memref<8192xf32, #tpu.memory_space<hbm>>
          tpu.enqueue_dma source(%arg7 : memref<8192xf32, #tpu.memory_space<vmem>>) target(%dma_start3A_233 : memref<8192xf32, #tpu.memory_space<hbm>>) target_semaphore(%arg16 : memref<!tpu.dma_semaphore, #tpu.memory_space<semaphore_mem>>)
        } else {
        }
        %mul3A_192 = arith.constant 4 : i32
        %mul3A_193 = arith.muli %add3A_137, %mul3A_192 : i32
        %add3A_194 = arith.addi %select_n3A, %mul3A_193 : i32
        %add3A_195 = arith.constant 2 : i32
        %add3A_196 = arith.addi %add3A_194, %add3A_195 : i32
        %lt3A_197 = arith.cmpi slt, %add3A_196, %select_n3A_46 : i32
        %convert_element_type3A_198 = arith.extui %lt3A_197 : i1 to i32
        %cond3A_199 = arith.constant 0 : i32
        %cond3A_200 = arith.cmpi ne, %convert_element_type3A_198, %cond3A_199 : i32
        scf.if %cond3A_200 {
          %mul3A_210 = arith.constant 256 : i32
          %mul3A_211 = arith.muli %add3A_196, %mul3A_210 : i32
          %dma_wait3A = arith.constant 2 : i32
          %dma_wait3A_212 = arith.constant 0 : i32
          %dma_wait3A_213 = arith.constant 0 : i32
          %dma_wait3A_214 = tpu.memref_slice %arg5[%dma_wait3A, %dma_wait3A_212, %dma_wait3A_213] : memref<4x32x256xf32, #tpu.memory_space<vmem>> -> memref<1x32x256xf32, #tpu.memory_space<vmem>>
          %dma_wait3A_215 = tpu.memref_squeeze %dma_wait3A_214 : memref<1x32x256xf32, #tpu.memory_space<vmem>> -> memref<32x256xf32, #tpu.memory_space<vmem>>
          %dma_wait3A_216 = arith.constant 0 : i32
          %dma_wait3A_217 = tpu.memref_slice %arg2[%add3A_116, %dma_wait3A_216, %mul3A_211] : memref<26x32x100000xf32, #tpu.memory_space<hbm>> -> memref<1x32x256xf32, #tpu.memory_space<hbm>>
          %dma_wait3A_218 = tpu.memref_squeeze %dma_wait3A_217 : memref<1x32x256xf32, #tpu.memory_space<hbm>> -> memref<32x256xf32, #tpu.memory_space<hbm>>
          %dma_wait3A_219 = arith.constant 0 : i32
          %dma_wait3A_220 = arith.constant 0 : i32
          %dma_wait3A_221 = tpu.memref_slice %arg5[%dma_wait3A, %dma_wait3A_219, %dma_wait3A_220] : memref<4x32x256xf32, #tpu.memory_space<vmem>> -> memref<1x32x256xf32, #tpu.memory_space<vmem>>
          %dma_wait3A_222 = tpu.memref_squeeze %dma_wait3A_221 : memref<1x32x256xf32, #tpu.memory_space<vmem>> -> memref<32x256xf32, #tpu.memory_space<vmem>>
          %dma_wait3A_223 = arith.constant 0 : i32
          %dma_wait3A_224 = tpu.memref_slice %arg2[%add3A_116, %dma_wait3A_223, %mul3A_211] : memref<26x32x100000xf32, #tpu.memory_space<hbm>> -> memref<1x32x256xf32, #tpu.memory_space<hbm>>
          %dma_wait3A_225 = tpu.memref_squeeze %dma_wait3A_224 : memref<1x32x256xf32, #tpu.memory_space<hbm>> -> memref<32x256xf32, #tpu.memory_space<hbm>>
          tpu.wait_dma2 semaphore(%arg13 : memref<!tpu.dma_semaphore, #tpu.memory_space<semaphore_mem>>) src(%dma_wait3A_225 : memref<32x256xf32, #tpu.memory_space<hbm>>) dst(%dma_wait3A_222 : memref<32x256xf32, #tpu.memory_space<vmem>>)
          %mul3A_226 = arith.constant 99968 : i32
          %mul3A_227 = arith.muli %add3A_116, %mul3A_226 : i32
          %mul3A_228 = arith.constant 256 : i32
          %mul3A_229 = arith.muli %add3A_196, %mul3A_228 : i32
          %add3A_230 = arith.addi %mul3A_227, %mul3A_229 : i32
          %mul3A_231 = arith.constant 32 : i32
          %mul3A_232 = arith.muli %add3A_230, %mul3A_231 : i32
          %dma_start3A = tpu.memref_slice %arg4[%mul3A_232] : memref<83200000xf32, #tpu.memory_space<hbm>> -> memref<8192xf32, #tpu.memory_space<hbm>>
          %dma_start3A_233 = tpu.memref_slice %arg4[%mul3A_232] : memref<83200000xf32, #tpu.memory_space<hbm>> -> memref<8192xf32, #tpu.memory_space<hbm>>
          tpu.enqueue_dma source(%arg8 : memref<8192xf32, #tpu.memory_space<vmem>>) target(%dma_start3A_233 : memref<8192xf32, #tpu.memory_space<hbm>>) target_semaphore(%arg17 : memref<!tpu.dma_semaphore, #tpu.memory_space<semaphore_mem>>)
        } else {
        }
        %mul3A_201 = arith.constant 4 : i32
        %mul3A_202 = arith.muli %add3A_137, %mul3A_201 : i32
        %add3A_203 = arith.addi %select_n3A, %mul3A_202 : i32
        %add3A_204 = arith.constant 3 : i32
        %add3A_205 = arith.addi %add3A_203, %add3A_204 : i32
        %lt3A_206 = arith.cmpi slt, %add3A_205, %select_n3A_46 : i32
        %convert_element_type3A_207 = arith.extui %lt3A_206 : i1 to i32
        %cond3A_208 = arith.constant 0 : i32
        %cond3A_209 = arith.cmpi ne, %convert_element_type3A_207, %cond3A_208 : i32
        scf.if %cond3A_209 {
          %mul3A_210 = arith.constant 256 : i32
          %mul3A_211 = arith.muli %add3A_205, %mul3A_210 : i32
          %dma_wait3A = arith.constant 3 : i32
          %dma_wait3A_212 = arith.constant 0 : i32
          %dma_wait3A_213 = arith.constant 0 : i32
          %dma_wait3A_214 = tpu.memref_slice %arg5[%dma_wait3A, %dma_wait3A_212, %dma_wait3A_213] : memref<4x32x256xf32, #tpu.memory_space<vmem>> -> memref<1x32x256xf32, #tpu.memory_space<vmem>>
          %dma_wait3A_215 = tpu.memref_squeeze %dma_wait3A_214 : memref<1x32x256xf32, #tpu.memory_space<vmem>> -> memref<32x256xf32, #tpu.memory_space<vmem>>
          %dma_wait3A_216 = arith.constant 0 : i32
          %dma_wait3A_217 = tpu.memref_slice %arg2[%add3A_116, %dma_wait3A_216, %mul3A_211] : memref<26x32x100000xf32, #tpu.memory_space<hbm>> -> memref<1x32x256xf32, #tpu.memory_space<hbm>>
          %dma_wait3A_218 = tpu.memref_squeeze %dma_wait3A_217 : memref<1x32x256xf32, #tpu.memory_space<hbm>> -> memref<32x256xf32, #tpu.memory_space<hbm>>
          %dma_wait3A_219 = arith.constant 0 : i32
          %dma_wait3A_220 = arith.constant 0 : i32
          %dma_wait3A_221 = tpu.memref_slice %arg5[%dma_wait3A, %dma_wait3A_219, %dma_wait3A_220] : memref<4x32x256xf32, #tpu.memory_space<vmem>> -> memref<1x32x256xf32, #tpu.memory_space<vmem>>
          %dma_wait3A_222 = tpu.memref_squeeze %dma_wait3A_221 : memref<1x32x256xf32, #tpu.memory_space<vmem>> -> memref<32x256xf32, #tpu.memory_space<vmem>>
          %dma_wait3A_223 = arith.constant 0 : i32
          %dma_wait3A_224 = tpu.memref_slice %arg2[%add3A_116, %dma_wait3A_223, %mul3A_211] : memref<26x32x100000xf32, #tpu.memory_space<hbm>> -> memref<1x32x256xf32, #tpu.memory_space<hbm>>
          %dma_wait3A_225 = tpu.memref_squeeze %dma_wait3A_224 : memref<1x32x256xf32, #tpu.memory_space<hbm>> -> memref<32x256xf32, #tpu.memory_space<hbm>>
          tpu.wait_dma2 semaphore(%arg14 : memref<!tpu.dma_semaphore, #tpu.memory_space<semaphore_mem>>) src(%dma_wait3A_225 : memref<32x256xf32, #tpu.memory_space<hbm>>) dst(%dma_wait3A_222 : memref<32x256xf32, #tpu.memory_space<vmem>>)
          %mul3A_226 = arith.constant 99968 : i32
          %mul3A_227 = arith.muli %add3A_116, %mul3A_226 : i32
          %mul3A_228 = arith.constant 256 : i32
          %mul3A_229 = arith.muli %add3A_205, %mul3A_228 : i32
          %add3A_230 = arith.addi %mul3A_227, %mul3A_229 : i32
          %mul3A_231 = arith.constant 32 : i32
          %mul3A_232 = arith.muli %add3A_230, %mul3A_231 : i32
          %dma_start3A = tpu.memref_slice %arg4[%mul3A_232] : memref<83200000xf32, #tpu.memory_space<hbm>> -> memref<8192xf32, #tpu.memory_space<hbm>>
          %dma_start3A_233 = tpu.memref_slice %arg4[%mul3A_232] : memref<83200000xf32, #tpu.memory_space<hbm>> -> memref<8192xf32, #tpu.memory_space<hbm>>
          tpu.enqueue_dma source(%arg9 : memref<8192xf32, #tpu.memory_space<vmem>>) target(%dma_start3A_233 : memref<8192xf32, #tpu.memory_space<hbm>>) target_semaphore(%arg18 : memref<!tpu.dma_semaphore, #tpu.memory_space<semaphore_mem>>)
        } else {
        }
      }
      %while3A_134 = arith.constant 1 : i32
      scf.for %while3A_135 = %while3A_132 to %while3A_128 step %while3A_134  : i32 {
        %mul3A_136 = arith.muli %while3A_135, %while3A : i32
        %add3A_137 = arith.addi %while3A_125, %mul3A_136 : i32
        %mul3A_138 = arith.constant 4 : i32
        %mul3A_139 = arith.muli %add3A_137, %mul3A_138 : i32
        %add3A_140 = arith.addi %select_n3A, %mul3A_139 : i32
        %add3A_141 = arith.constant 0 : i32
        %add3A_142 = arith.addi %add3A_140, %add3A_141 : i32
        %lt3A_143 = arith.cmpi slt, %add3A_142, %select_n3A_46 : i32
        %convert_element_type3A_144 = arith.extui %lt3A_143 : i1 to i32
        %cond3A_145 = arith.constant 0 : i32
        %cond3A_146 = arith.cmpi ne, %convert_element_type3A_144, %cond3A_145 : i32
        scf.if %cond3A_146 {
          %gt3A = arith.constant 0 : i32
          %gt3A_210 = arith.cmpi sgt, %add3A_137, %gt3A : i32
          %gt3A_211 = arith.constant 0 : i32
          %gt3A_212 = arith.cmpi sgt, %add3A_116, %gt3A_211 : i32
          %or3A = arith.ori %gt3A_210, %gt3A_212 : i1
          %convert_element_type3A_213 = arith.extui %or3A : i1 to i32
          %cond3A_214 = arith.constant 0 : i32
          %cond3A_215 = arith.cmpi ne, %convert_element_type3A_213, %cond3A_214 : i32
          scf.if %cond3A_215 {
            %sub3A_232 = arith.constant 4 : i32
            %sub3A_233 = arith.subi %add3A_142, %sub3A_232 : i32
            %mul3A_234 = arith.constant 99968 : i32
            %mul3A_235 = arith.muli %add3A_116, %mul3A_234 : i32
            %mul3A_236 = arith.constant 256 : i32
            %mul3A_237 = arith.muli %sub3A_233, %mul3A_236 : i32
            %add3A_238 = arith.addi %mul3A_235, %mul3A_237 : i32
            %mul3A_239 = arith.constant 32 : i32
            %mul3A_240 = arith.muli %add3A_238, %mul3A_239 : i32
            %dma_wait3A = tpu.memref_slice %arg4[%mul3A_240] : memref<83200000xf32, #tpu.memory_space<hbm>> -> memref<8192xf32, #tpu.memory_space<hbm>>
            %dma_wait3A_241 = tpu.memref_slice %arg4[%mul3A_240] : memref<83200000xf32, #tpu.memory_space<hbm>> -> memref<8192xf32, #tpu.memory_space<hbm>>
            tpu.wait_dma2 semaphore(%arg15 : memref<!tpu.dma_semaphore, #tpu.memory_space<semaphore_mem>>) src(%arg6 : memref<8192xf32, #tpu.memory_space<vmem>>) dst(%dma_wait3A_241 : memref<8192xf32, #tpu.memory_space<hbm>>)
          } else {
          }
          %mul3A_216 = arith.constant 256 : i32
          %mul3A_217 = arith.muli %add3A_142, %mul3A_216 : i32
          %dma_start3A = arith.constant 0 : i32
          %dma_start3A_218 = arith.constant 0 : i32
          %dma_start3A_219 = arith.constant 0 : i32
          %dma_start3A_220 = tpu.memref_slice %arg5[%dma_start3A, %dma_start3A_218, %dma_start3A_219] : memref<4x32x256xf32, #tpu.memory_space<vmem>> -> memref<1x32x256xf32, #tpu.memory_space<vmem>>
          %dma_start3A_221 = tpu.memref_squeeze %dma_start3A_220 : memref<1x32x256xf32, #tpu.memory_space<vmem>> -> memref<32x256xf32, #tpu.memory_space<vmem>>
          %dma_start3A_222 = arith.constant 0 : i32
          %dma_start3A_223 = tpu.memref_slice %arg2[%add3A_116, %dma_start3A_222, %mul3A_217] : memref<26x32x100000xf32, #tpu.memory_space<hbm>> -> memref<1x32x256xf32, #tpu.memory_space<hbm>>
          %dma_start3A_224 = tpu.memref_squeeze %dma_start3A_223 : memref<1x32x256xf32, #tpu.memory_space<hbm>> -> memref<32x256xf32, #tpu.memory_space<hbm>>
          %dma_start3A_225 = arith.constant 0 : i32
          %dma_start3A_226 = arith.constant 0 : i32
          %dma_start3A_227 = tpu.memref_slice %arg5[%dma_start3A, %dma_start3A_225, %dma_start3A_226] : memref<4x32x256xf32, #tpu.memory_space<vmem>> -> memref<1x32x256xf32, #tpu.memory_space<vmem>>
          %dma_start3A_228 = tpu.memref_squeeze %dma_start3A_227 : memref<1x32x256xf32, #tpu.memory_space<vmem>> -> memref<32x256xf32, #tpu.memory_space<vmem>>
          %dma_start3A_229 = arith.constant 0 : i32
          %dma_start3A_230 = tpu.memref_slice %arg2[%add3A_116, %dma_start3A_229, %mul3A_217] : memref<26x32x100000xf32, #tpu.memory_space<hbm>> -> memref<1x32x256xf32, #tpu.memory_space<hbm>>
          %dma_start3A_231 = tpu.memref_squeeze %dma_start3A_230 : memref<1x32x256xf32, #tpu.memory_space<hbm>> -> memref<32x256xf32, #tpu.memory_space<hbm>>
          tpu.enqueue_dma source(%dma_start3A_231 : memref<32x256xf32, #tpu.memory_space<hbm>>) target(%dma_start3A_228 : memref<32x256xf32, #tpu.memory_space<vmem>>) target_semaphore(%arg11 : memref<!tpu.dma_semaphore, #tpu.memory_space<semaphore_mem>>)
        } else {
        }
        %mul3A_147 = arith.constant 4 : i32
        %mul3A_148 = arith.muli %add3A_137, %mul3A_147 : i32
        %add3A_149 = arith.addi %select_n3A, %mul3A_148 : i32
        %add3A_150 = arith.constant 1 : i32
        %add3A_151 = arith.addi %add3A_149, %add3A_150 : i32
        %lt3A_152 = arith.cmpi slt, %add3A_151, %select_n3A_46 : i32
        %convert_element_type3A_153 = arith.extui %lt3A_152 : i1 to i32
        %cond3A_154 = arith.constant 0 : i32
        %cond3A_155 = arith.cmpi ne, %convert_element_type3A_153, %cond3A_154 : i32
        scf.if %cond3A_155 {
          %gt3A = arith.constant 0 : i32
          %gt3A_210 = arith.cmpi sgt, %add3A_137, %gt3A : i32
          %gt3A_211 = arith.constant 0 : i32
          %gt3A_212 = arith.cmpi sgt, %add3A_116, %gt3A_211 : i32
          %or3A = arith.ori %gt3A_210, %gt3A_212 : i1
          %convert_element_type3A_213 = arith.extui %or3A : i1 to i32
          %cond3A_214 = arith.constant 0 : i32
          %cond3A_215 = arith.cmpi ne, %convert_element_type3A_213, %cond3A_214 : i32
          scf.if %cond3A_215 {
            %sub3A_232 = arith.constant 4 : i32
            %sub3A_233 = arith.subi %add3A_151, %sub3A_232 : i32
            %mul3A_234 = arith.constant 99968 : i32
            %mul3A_235 = arith.muli %add3A_116, %mul3A_234 : i32
            %mul3A_236 = arith.constant 256 : i32
            %mul3A_237 = arith.muli %sub3A_233, %mul3A_236 : i32
            %add3A_238 = arith.addi %mul3A_235, %mul3A_237 : i32
            %mul3A_239 = arith.constant 32 : i32
            %mul3A_240 = arith.muli %add3A_238, %mul3A_239 : i32
            %dma_wait3A = tpu.memref_slice %arg4[%mul3A_240] : memref<83200000xf32, #tpu.memory_space<hbm>> -> memref<8192xf32, #tpu.memory_space<hbm>>
            %dma_wait3A_241 = tpu.memref_slice %arg4[%mul3A_240] : memref<83200000xf32, #tpu.memory_space<hbm>> -> memref<8192xf32, #tpu.memory_space<hbm>>
            tpu.wait_dma2 semaphore(%arg16 : memref<!tpu.dma_semaphore, #tpu.memory_space<semaphore_mem>>) src(%arg7 : memref<8192xf32, #tpu.memory_space<vmem>>) dst(%dma_wait3A_241 : memref<8192xf32, #tpu.memory_space<hbm>>)
          } else {
          }
          %mul3A_216 = arith.constant 256 : i32
          %mul3A_217 = arith.muli %add3A_151, %mul3A_216 : i32
          %dma_start3A = arith.constant 1 : i32
          %dma_start3A_218 = arith.constant 0 : i32
          %dma_start3A_219 = arith.constant 0 : i32
          %dma_start3A_220 = tpu.memref_slice %arg5[%dma_start3A, %dma_start3A_218, %dma_start3A_219] : memref<4x32x256xf32, #tpu.memory_space<vmem>> -> memref<1x32x256xf32, #tpu.memory_space<vmem>>
          %dma_start3A_221 = tpu.memref_squeeze %dma_start3A_220 : memref<1x32x256xf32, #tpu.memory_space<vmem>> -> memref<32x256xf32, #tpu.memory_space<vmem>>
          %dma_start3A_222 = arith.constant 0 : i32
          %dma_start3A_223 = tpu.memref_slice %arg2[%add3A_116, %dma_start3A_222, %mul3A_217] : memref<26x32x100000xf32, #tpu.memory_space<hbm>> -> memref<1x32x256xf32, #tpu.memory_space<hbm>>
          %dma_start3A_224 = tpu.memref_squeeze %dma_start3A_223 : memref<1x32x256xf32, #tpu.memory_space<hbm>> -> memref<32x256xf32, #tpu.memory_space<hbm>>
          %dma_start3A_225 = arith.constant 0 : i32
          %dma_start3A_226 = arith.constant 0 : i32
          %dma_start3A_227 = tpu.memref_slice %arg5[%dma_start3A, %dma_start3A_225, %dma_start3A_226] : memref<4x32x256xf32, #tpu.memory_space<vmem>> -> memref<1x32x256xf32, #tpu.memory_space<vmem>>
          %dma_start3A_228 = tpu.memref_squeeze %dma_start3A_227 : memref<1x32x256xf32, #tpu.memory_space<vmem>> -> memref<32x256xf32, #tpu.memory_space<vmem>>
          %dma_start3A_229 = arith.constant 0 : i32
          %dma_start3A_230 = tpu.memref_slice %arg2[%add3A_116, %dma_start3A_229, %mul3A_217] : memref<26x32x100000xf32, #tpu.memory_space<hbm>> -> memref<1x32x256xf32, #tpu.memory_space<hbm>>
          %dma_start3A_231 = tpu.memref_squeeze %dma_start3A_230 : memref<1x32x256xf32, #tpu.memory_space<hbm>> -> memref<32x256xf32, #tpu.memory_space<hbm>>
          tpu.enqueue_dma source(%dma_start3A_231 : memref<32x256xf32, #tpu.memory_space<hbm>>) target(%dma_start3A_228 : memref<32x256xf32, #tpu.memory_space<vmem>>) target_semaphore(%arg12 : memref<!tpu.dma_semaphore, #tpu.memory_space<semaphore_mem>>)
        } else {
        }
        %mul3A_156 = arith.constant 4 : i32
        %mul3A_157 = arith.muli %add3A_137, %mul3A_156 : i32
        %add3A_158 = arith.addi %select_n3A, %mul3A_157 : i32
        %add3A_159 = arith.constant 2 : i32
        %add3A_160 = arith.addi %add3A_158, %add3A_159 : i32
        %lt3A_161 = arith.cmpi slt, %add3A_160, %select_n3A_46 : i32
        %convert_element_type3A_162 = arith.extui %lt3A_161 : i1 to i32
        %cond3A_163 = arith.constant 0 : i32
        %cond3A_164 = arith.cmpi ne, %convert_element_type3A_162, %cond3A_163 : i32
        scf.if %cond3A_164 {
          %gt3A = arith.constant 0 : i32
          %gt3A_210 = arith.cmpi sgt, %add3A_137, %gt3A : i32
          %gt3A_211 = arith.constant 0 : i32
          %gt3A_212 = arith.cmpi sgt, %add3A_116, %gt3A_211 : i32
          %or3A = arith.ori %gt3A_210, %gt3A_212 : i1
          %convert_element_type3A_213 = arith.extui %or3A : i1 to i32
          %cond3A_214 = arith.constant 0 : i32
          %cond3A_215 = arith.cmpi ne, %convert_element_type3A_213, %cond3A_214 : i32
          scf.if %cond3A_215 {
            %sub3A_232 = arith.constant 4 : i32
            %sub3A_233 = arith.subi %add3A_160, %sub3A_232 : i32
            %mul3A_234 = arith.constant 99968 : i32
            %mul3A_235 = arith.muli %add3A_116, %mul3A_234 : i32
            %mul3A_236 = arith.constant 256 : i32
            %mul3A_237 = arith.muli %sub3A_233, %mul3A_236 : i32
            %add3A_238 = arith.addi %mul3A_235, %mul3A_237 : i32
            %mul3A_239 = arith.constant 32 : i32
            %mul3A_240 = arith.muli %add3A_238, %mul3A_239 : i32
            %dma_wait3A = tpu.memref_slice %arg4[%mul3A_240] : memref<83200000xf32, #tpu.memory_space<hbm>> -> memref<8192xf32, #tpu.memory_space<hbm>>
            %dma_wait3A_241 = tpu.memref_slice %arg4[%mul3A_240] : memref<83200000xf32, #tpu.memory_space<hbm>> -> memref<8192xf32, #tpu.memory_space<hbm>>
            tpu.wait_dma2 semaphore(%arg17 : memref<!tpu.dma_semaphore, #tpu.memory_space<semaphore_mem>>) src(%arg8 : memref<8192xf32, #tpu.memory_space<vmem>>) dst(%dma_wait3A_241 : memref<8192xf32, #tpu.memory_space<hbm>>)
          } else {
          }
          %mul3A_216 = arith.constant 256 : i32
          %mul3A_217 = arith.muli %add3A_160, %mul3A_216 : i32
          %dma_start3A = arith.constant 2 : i32
          %dma_start3A_218 = arith.constant 0 : i32
          %dma_start3A_219 = arith.constant 0 : i32
          %dma_start3A_220 = tpu.memref_slice %arg5[%dma_start3A, %dma_start3A_218, %dma_start3A_219] : memref<4x32x256xf32, #tpu.memory_space<vmem>> -> memref<1x32x256xf32, #tpu.memory_space<vmem>>
          %dma_start3A_221 = tpu.memref_squeeze %dma_start3A_220 : memref<1x32x256xf32, #tpu.memory_space<vmem>> -> memref<32x256xf32, #tpu.memory_space<vmem>>
          %dma_start3A_222 = arith.constant 0 : i32
          %dma_start3A_223 = tpu.memref_slice %arg2[%add3A_116, %dma_start3A_222, %mul3A_217] : memref<26x32x100000xf32, #tpu.memory_space<hbm>> -> memref<1x32x256xf32, #tpu.memory_space<hbm>>
          %dma_start3A_224 = tpu.memref_squeeze %dma_start3A_223 : memref<1x32x256xf32, #tpu.memory_space<hbm>> -> memref<32x256xf32, #tpu.memory_space<hbm>>
          %dma_start3A_225 = arith.constant 0 : i32
          %dma_start3A_226 = arith.constant 0 : i32
          %dma_start3A_227 = tpu.memref_slice %arg5[%dma_start3A, %dma_start3A_225, %dma_start3A_226] : memref<4x32x256xf32, #tpu.memory_space<vmem>> -> memref<1x32x256xf32, #tpu.memory_space<vmem>>
          %dma_start3A_228 = tpu.memref_squeeze %dma_start3A_227 : memref<1x32x256xf32, #tpu.memory_space<vmem>> -> memref<32x256xf32, #tpu.memory_space<vmem>>
          %dma_start3A_229 = arith.constant 0 : i32
          %dma_start3A_230 = tpu.memref_slice %arg2[%add3A_116, %dma_start3A_229, %mul3A_217] : memref<26x32x100000xf32, #tpu.memory_space<hbm>> -> memref<1x32x256xf32, #tpu.memory_space<hbm>>
          %dma_start3A_231 = tpu.memref_squeeze %dma_start3A_230 : memref<1x32x256xf32, #tpu.memory_space<hbm>> -> memref<32x256xf32, #tpu.memory_space<hbm>>
          tpu.enqueue_dma source(%dma_start3A_231 : memref<32x256xf32, #tpu.memory_space<hbm>>) target(%dma_start3A_228 : memref<32x256xf32, #tpu.memory_space<vmem>>) target_semaphore(%arg13 : memref<!tpu.dma_semaphore, #tpu.memory_space<semaphore_mem>>)
        } else {
        }
        %mul3A_165 = arith.constant 4 : i32
        %mul3A_166 = arith.muli %add3A_137, %mul3A_165 : i32
        %add3A_167 = arith.addi %select_n3A, %mul3A_166 : i32
        %add3A_168 = arith.constant 3 : i32
        %add3A_169 = arith.addi %add3A_167, %add3A_168 : i32
        %lt3A_170 = arith.cmpi slt, %add3A_169, %select_n3A_46 : i32
        %convert_element_type3A_171 = arith.extui %lt3A_170 : i1 to i32
        %cond3A_172 = arith.constant 0 : i32
        %cond3A_173 = arith.cmpi ne, %convert_element_type3A_171, %cond3A_172 : i32
        scf.if %cond3A_173 {
          %gt3A = arith.constant 0 : i32
          %gt3A_210 = arith.cmpi sgt, %add3A_137, %gt3A : i32
          %gt3A_211 = arith.constant 0 : i32
          %gt3A_212 = arith.cmpi sgt, %add3A_116, %gt3A_211 : i32
          %or3A = arith.ori %gt3A_210, %gt3A_212 : i1
          %convert_element_type3A_213 = arith.extui %or3A : i1 to i32
          %cond3A_214 = arith.constant 0 : i32
          %cond3A_215 = arith.cmpi ne, %convert_element_type3A_213, %cond3A_214 : i32
          scf.if %cond3A_215 {
            %sub3A_232 = arith.constant 4 : i32
            %sub3A_233 = arith.subi %add3A_169, %sub3A_232 : i32
            %mul3A_234 = arith.constant 99968 : i32
            %mul3A_235 = arith.muli %add3A_116, %mul3A_234 : i32
            %mul3A_236 = arith.constant 256 : i32
            %mul3A_237 = arith.muli %sub3A_233, %mul3A_236 : i32
            %add3A_238 = arith.addi %mul3A_235, %mul3A_237 : i32
            %mul3A_239 = arith.constant 32 : i32
            %mul3A_240 = arith.muli %add3A_238, %mul3A_239 : i32
            %dma_wait3A = tpu.memref_slice %arg4[%mul3A_240] : memref<83200000xf32, #tpu.memory_space<hbm>> -> memref<8192xf32, #tpu.memory_space<hbm>>
            %dma_wait3A_241 = tpu.memref_slice %arg4[%mul3A_240] : memref<83200000xf32, #tpu.memory_space<hbm>> -> memref<8192xf32, #tpu.memory_space<hbm>>
            tpu.wait_dma2 semaphore(%arg18 : memref<!tpu.dma_semaphore, #tpu.memory_space<semaphore_mem>>) src(%arg9 : memref<8192xf32, #tpu.memory_space<vmem>>) dst(%dma_wait3A_241 : memref<8192xf32, #tpu.memory_space<hbm>>)
          } else {
          }
          %mul3A_216 = arith.constant 256 : i32
          %mul3A_217 = arith.muli %add3A_169, %mul3A_216 : i32
          %dma_start3A = arith.constant 3 : i32
          %dma_start3A_218 = arith.constant 0 : i32
          %dma_start3A_219 = arith.constant 0 : i32
          %dma_start3A_220 = tpu.memref_slice %arg5[%dma_start3A, %dma_start3A_218, %dma_start3A_219] : memref<4x32x256xf32, #tpu.memory_space<vmem>> -> memref<1x32x256xf32, #tpu.memory_space<vmem>>
          %dma_start3A_221 = tpu.memref_squeeze %dma_start3A_220 : memref<1x32x256xf32, #tpu.memory_space<vmem>> -> memref<32x256xf32, #tpu.memory_space<vmem>>
          %dma_start3A_222 = arith.constant 0 : i32
          %dma_start3A_223 = tpu.memref_slice %arg2[%add3A_116, %dma_start3A_222, %mul3A_217] : memref<26x32x100000xf32, #tpu.memory_space<hbm>> -> memref<1x32x256xf32, #tpu.memory_space<hbm>>
          %dma_start3A_224 = tpu.memref_squeeze %dma_start3A_223 : memref<1x32x256xf32, #tpu.memory_space<hbm>> -> memref<32x256xf32, #tpu.memory_space<hbm>>
          %dma_start3A_225 = arith.constant 0 : i32
          %dma_start3A_226 = arith.constant 0 : i32
          %dma_start3A_227 = tpu.memref_slice %arg5[%dma_start3A, %dma_start3A_225, %dma_start3A_226] : memref<4x32x256xf32, #tpu.memory_space<vmem>> -> memref<1x32x256xf32, #tpu.memory_space<vmem>>
          %dma_start3A_228 = tpu.memref_squeeze %dma_start3A_227 : memref<1x32x256xf32, #tpu.memory_space<vmem>> -> memref<32x256xf32, #tpu.memory_space<vmem>>
          %dma_start3A_229 = arith.constant 0 : i32
          %dma_start3A_230 = tpu.memref_slice %arg2[%add3A_116, %dma_start3A_229, %mul3A_217] : memref<26x32x100000xf32, #tpu.memory_space<hbm>> -> memref<1x32x256xf32, #tpu.memory_space<hbm>>
          %dma_start3A_231 = tpu.memref_squeeze %dma_start3A_230 : memref<1x32x256xf32, #tpu.memory_space<hbm>> -> memref<32x256xf32, #tpu.memory_space<hbm>>
          tpu.enqueue_dma source(%dma_start3A_231 : memref<32x256xf32, #tpu.memory_space<hbm>>) target(%dma_start3A_228 : memref<32x256xf32, #tpu.memory_space<vmem>>) target_semaphore(%arg14 : memref<!tpu.dma_semaphore, #tpu.memory_space<semaphore_mem>>)
        } else {
        }
        %mul3A_174 = arith.constant 4 : i32
        %mul3A_175 = arith.muli %add3A_137, %mul3A_174 : i32
        %add3A_176 = arith.addi %select_n3A, %mul3A_175 : i32
        %add3A_177 = arith.constant 0 : i32
        %add3A_178 = arith.addi %add3A_176, %add3A_177 : i32
        %lt3A_179 = arith.cmpi slt, %add3A_178, %select_n3A_46 : i32
        %convert_element_type3A_180 = arith.extui %lt3A_179 : i1 to i32
        %cond3A_181 = arith.constant 0 : i32
        %cond3A_182 = arith.cmpi ne, %convert_element_type3A_180, %cond3A_181 : i32
        scf.if %cond3A_182 {
          %mul3A_210 = arith.constant 256 : i32
          %mul3A_211 = arith.muli %add3A_178, %mul3A_210 : i32
          %dma_wait3A = arith.constant 0 : i32
          %dma_wait3A_212 = arith.constant 0 : i32
          %dma_wait3A_213 = arith.constant 0 : i32
          %dma_wait3A_214 = tpu.memref_slice %arg5[%dma_wait3A, %dma_wait3A_212, %dma_wait3A_213] : memref<4x32x256xf32, #tpu.memory_space<vmem>> -> memref<1x32x256xf32, #tpu.memory_space<vmem>>
          %dma_wait3A_215 = tpu.memref_squeeze %dma_wait3A_214 : memref<1x32x256xf32, #tpu.memory_space<vmem>> -> memref<32x256xf32, #tpu.memory_space<vmem>>
          %dma_wait3A_216 = arith.constant 0 : i32
          %dma_wait3A_217 = tpu.memref_slice %arg2[%add3A_116, %dma_wait3A_216, %mul3A_211] : memref<26x32x100000xf32, #tpu.memory_space<hbm>> -> memref<1x32x256xf32, #tpu.memory_space<hbm>>
          %dma_wait3A_218 = tpu.memref_squeeze %dma_wait3A_217 : memref<1x32x256xf32, #tpu.memory_space<hbm>> -> memref<32x256xf32, #tpu.memory_space<hbm>>
          %dma_wait3A_219 = arith.constant 0 : i32
          %dma_wait3A_220 = arith.constant 0 : i32
          %dma_wait3A_221 = tpu.memref_slice %arg5[%dma_wait3A, %dma_wait3A_219, %dma_wait3A_220] : memref<4x32x256xf32, #tpu.memory_space<vmem>> -> memref<1x32x256xf32, #tpu.memory_space<vmem>>
          %dma_wait3A_222 = tpu.memref_squeeze %dma_wait3A_221 : memref<1x32x256xf32, #tpu.memory_space<vmem>> -> memref<32x256xf32, #tpu.memory_space<vmem>>
          %dma_wait3A_223 = arith.constant 0 : i32
          %dma_wait3A_224 = tpu.memref_slice %arg2[%add3A_116, %dma_wait3A_223, %mul3A_211] : memref<26x32x100000xf32, #tpu.memory_space<hbm>> -> memref<1x32x256xf32, #tpu.memory_space<hbm>>
          %dma_wait3A_225 = tpu.memref_squeeze %dma_wait3A_224 : memref<1x32x256xf32, #tpu.memory_space<hbm>> -> memref<32x256xf32, #tpu.memory_space<hbm>>
          tpu.wait_dma2 semaphore(%arg11 : memref<!tpu.dma_semaphore, #tpu.memory_space<semaphore_mem>>) src(%dma_wait3A_225 : memref<32x256xf32, #tpu.memory_space<hbm>>) dst(%dma_wait3A_222 : memref<32x256xf32, #tpu.memory_space<vmem>>)
          %mul3A_226 = arith.constant 99968 : i32
          %mul3A_227 = arith.muli %add3A_116, %mul3A_226 : i32
          %mul3A_228 = arith.constant 256 : i32
          %mul3A_229 = arith.muli %add3A_178, %mul3A_228 : i32
          %add3A_230 = arith.addi %mul3A_227, %mul3A_229 : i32
          %mul3A_231 = arith.constant 32 : i32
          %mul3A_232 = arith.muli %add3A_230, %mul3A_231 : i32
          %dma_start3A = tpu.memref_slice %arg4[%mul3A_232] : memref<83200000xf32, #tpu.memory_space<hbm>> -> memref<8192xf32, #tpu.memory_space<hbm>>
          %dma_start3A_233 = tpu.memref_slice %arg4[%mul3A_232] : memref<83200000xf32, #tpu.memory_space<hbm>> -> memref<8192xf32, #tpu.memory_space<hbm>>
          tpu.enqueue_dma source(%arg6 : memref<8192xf32, #tpu.memory_space<vmem>>) target(%dma_start3A_233 : memref<8192xf32, #tpu.memory_space<hbm>>) target_semaphore(%arg15 : memref<!tpu.dma_semaphore, #tpu.memory_space<semaphore_mem>>)
        } else {
        }
        %mul3A_183 = arith.constant 4 : i32
        %mul3A_184 = arith.muli %add3A_137, %mul3A_183 : i32
        %add3A_185 = arith.addi %select_n3A, %mul3A_184 : i32
        %add3A_186 = arith.constant 1 : i32
        %add3A_187 = arith.addi %add3A_185, %add3A_186 : i32
        %lt3A_188 = arith.cmpi slt, %add3A_187, %select_n3A_46 : i32
        %convert_element_type3A_189 = arith.extui %lt3A_188 : i1 to i32
        %cond3A_190 = arith.constant 0 : i32
        %cond3A_191 = arith.cmpi ne, %convert_element_type3A_189, %cond3A_190 : i32
        scf.if %cond3A_191 {
          %mul3A_210 = arith.constant 256 : i32
          %mul3A_211 = arith.muli %add3A_187, %mul3A_210 : i32
          %dma_wait3A = arith.constant 1 : i32
          %dma_wait3A_212 = arith.constant 0 : i32
          %dma_wait3A_213 = arith.constant 0 : i32
          %dma_wait3A_214 = tpu.memref_slice %arg5[%dma_wait3A, %dma_wait3A_212, %dma_wait3A_213] : memref<4x32x256xf32, #tpu.memory_space<vmem>> -> memref<1x32x256xf32, #tpu.memory_space<vmem>>
          %dma_wait3A_215 = tpu.memref_squeeze %dma_wait3A_214 : memref<1x32x256xf32, #tpu.memory_space<vmem>> -> memref<32x256xf32, #tpu.memory_space<vmem>>
          %dma_wait3A_216 = arith.constant 0 : i32
          %dma_wait3A_217 = tpu.memref_slice %arg2[%add3A_116, %dma_wait3A_216, %mul3A_211] : memref<26x32x100000xf32, #tpu.memory_space<hbm>> -> memref<1x32x256xf32, #tpu.memory_space<hbm>>
          %dma_wait3A_218 = tpu.memref_squeeze %dma_wait3A_217 : memref<1x32x256xf32, #tpu.memory_space<hbm>> -> memref<32x256xf32, #tpu.memory_space<hbm>>
          %dma_wait3A_219 = arith.constant 0 : i32
          %dma_wait3A_220 = arith.constant 0 : i32
          %dma_wait3A_221 = tpu.memref_slice %arg5[%dma_wait3A, %dma_wait3A_219, %dma_wait3A_220] : memref<4x32x256xf32, #tpu.memory_space<vmem>> -> memref<1x32x256xf32, #tpu.memory_space<vmem>>
          %dma_wait3A_222 = tpu.memref_squeeze %dma_wait3A_221 : memref<1x32x256xf32, #tpu.memory_space<vmem>> -> memref<32x256xf32, #tpu.memory_space<vmem>>
          %dma_wait3A_223 = arith.constant 0 : i32
          %dma_wait3A_224 = tpu.memref_slice %arg2[%add3A_116, %dma_wait3A_223, %mul3A_211] : memref<26x32x100000xf32, #tpu.memory_space<hbm>> -> memref<1x32x256xf32, #tpu.memory_space<hbm>>
          %dma_wait3A_225 = tpu.memref_squeeze %dma_wait3A_224 : memref<1x32x256xf32, #tpu.memory_space<hbm>> -> memref<32x256xf32, #tpu.memory_space<hbm>>
          tpu.wait_dma2 semaphore(%arg12 : memref<!tpu.dma_semaphore, #tpu.memory_space<semaphore_mem>>) src(%dma_wait3A_225 : memref<32x256xf32, #tpu.memory_space<hbm>>) dst(%dma_wait3A_222 : memref<32x256xf32, #tpu.memory_space<vmem>>)
          %mul3A_226 = arith.constant 99968 : i32
          %mul3A_227 = arith.muli %add3A_116, %mul3A_226 : i32
          %mul3A_228 = arith.constant 256 : i32
          %mul3A_229 = arith.muli %add3A_187, %mul3A_228 : i32
          %add3A_230 = arith.addi %mul3A_227, %mul3A_229 : i32
          %mul3A_231 = arith.constant 32 : i32
          %mul3A_232 = arith.muli %add3A_230, %mul3A_231 : i32
          %dma_start3A = tpu.memref_slice %arg4[%mul3A_232] : memref<83200000xf32, #tpu.memory_space<hbm>> -> memref<8192xf32, #tpu.memory_space<hbm>>
          %dma_start3A_233 = tpu.memref_slice %arg4[%mul3A_232] : memref<83200000xf32, #tpu.memory_space<hbm>> -> memref<8192xf32, #tpu.memory_space<hbm>>
          tpu.enqueue_dma source(%arg7 : memref<8192xf32, #tpu.memory_space<vmem>>) target(%dma_start3A_233 : memref<8192xf32, #tpu.memory_space<hbm>>) target_semaphore(%arg16 : memref<!tpu.dma_semaphore, #tpu.memory_space<semaphore_mem>>)
        } else {
        }
        %mul3A_192 = arith.constant 4 : i32
        %mul3A_193 = arith.muli %add3A_137, %mul3A_192 : i32
        %add3A_194 = arith.addi %select_n3A, %mul3A_193 : i32
        %add3A_195 = arith.constant 2 : i32
        %add3A_196 = arith.addi %add3A_194, %add3A_195 : i32
        %lt3A_197 = arith.cmpi slt, %add3A_196, %select_n3A_46 : i32
        %convert_element_type3A_198 = arith.extui %lt3A_197 : i1 to i32
        %cond3A_199 = arith.constant 0 : i32
        %cond3A_200 = arith.cmpi ne, %convert_element_type3A_198, %cond3A_199 : i32
        scf.if %cond3A_200 {
          %mul3A_210 = arith.constant 256 : i32
          %mul3A_211 = arith.muli %add3A_196, %mul3A_210 : i32
          %dma_wait3A = arith.constant 2 : i32
          %dma_wait3A_212 = arith.constant 0 : i32
          %dma_wait3A_213 = arith.constant 0 : i32
          %dma_wait3A_214 = tpu.memref_slice %arg5[%dma_wait3A, %dma_wait3A_212, %dma_wait3A_213] : memref<4x32x256xf32, #tpu.memory_space<vmem>> -> memref<1x32x256xf32, #tpu.memory_space<vmem>>
          %dma_wait3A_215 = tpu.memref_squeeze %dma_wait3A_214 : memref<1x32x256xf32, #tpu.memory_space<vmem>> -> memref<32x256xf32, #tpu.memory_space<vmem>>
          %dma_wait3A_216 = arith.constant 0 : i32
          %dma_wait3A_217 = tpu.memref_slice %arg2[%add3A_116, %dma_wait3A_216, %mul3A_211] : memref<26x32x100000xf32, #tpu.memory_space<hbm>> -> memref<1x32x256xf32, #tpu.memory_space<hbm>>
          %dma_wait3A_218 = tpu.memref_squeeze %dma_wait3A_217 : memref<1x32x256xf32, #tpu.memory_space<hbm>> -> memref<32x256xf32, #tpu.memory_space<hbm>>
          %dma_wait3A_219 = arith.constant 0 : i32
          %dma_wait3A_220 = arith.constant 0 : i32
          %dma_wait3A_221 = tpu.memref_slice %arg5[%dma_wait3A, %dma_wait3A_219, %dma_wait3A_220] : memref<4x32x256xf32, #tpu.memory_space<vmem>> -> memref<1x32x256xf32, #tpu.memory_space<vmem>>
          %dma_wait3A_222 = tpu.memref_squeeze %dma_wait3A_221 : memref<1x32x256xf32, #tpu.memory_space<vmem>> -> memref<32x256xf32, #tpu.memory_space<vmem>>
          %dma_wait3A_223 = arith.constant 0 : i32
          %dma_wait3A_224 = tpu.memref_slice %arg2[%add3A_116, %dma_wait3A_223, %mul3A_211] : memref<26x32x100000xf32, #tpu.memory_space<hbm>> -> memref<1x32x256xf32, #tpu.memory_space<hbm>>
          %dma_wait3A_225 = tpu.memref_squeeze %dma_wait3A_224 : memref<1x32x256xf32, #tpu.memory_space<hbm>> -> memref<32x256xf32, #tpu.memory_space<hbm>>
          tpu.wait_dma2 semaphore(%arg13 : memref<!tpu.dma_semaphore, #tpu.memory_space<semaphore_mem>>) src(%dma_wait3A_225 : memref<32x256xf32, #tpu.memory_space<hbm>>) dst(%dma_wait3A_222 : memref<32x256xf32, #tpu.memory_space<vmem>>)
          %mul3A_226 = arith.constant 99968 : i32
          %mul3A_227 = arith.muli %add3A_116, %mul3A_226 : i32
          %mul3A_228 = arith.constant 256 : i32
          %mul3A_229 = arith.muli %add3A_196, %mul3A_228 : i32
          %add3A_230 = arith.addi %mul3A_227, %mul3A_229 : i32
          %mul3A_231 = arith.constant 32 : i32
          %mul3A_232 = arith.muli %add3A_230, %mul3A_231 : i32
          %dma_start3A = tpu.memref_slice %arg4[%mul3A_232] : memref<83200000xf32, #tpu.memory_space<hbm>> -> memref<8192xf32, #tpu.memory_space<hbm>>
          %dma_start3A_233 = tpu.memref_slice %arg4[%mul3A_232] : memref<83200000xf32, #tpu.memory_space<hbm>> -> memref<8192xf32, #tpu.memory_space<hbm>>
          tpu.enqueue_dma source(%arg8 : memref<8192xf32, #tpu.memory_space<vmem>>) target(%dma_start3A_233 : memref<8192xf32, #tpu.memory_space<hbm>>) target_semaphore(%arg17 : memref<!tpu.dma_semaphore, #tpu.memory_space<semaphore_mem>>)
        } else {
        }
        %mul3A_201 = arith.constant 4 : i32
        %mul3A_202 = arith.muli %add3A_137, %mul3A_201 : i32
        %add3A_203 = arith.addi %select_n3A, %mul3A_202 : i32
        %add3A_204 = arith.constant 3 : i32
        %add3A_205 = arith.addi %add3A_203, %add3A_204 : i32
        %lt3A_206 = arith.cmpi slt, %add3A_205, %select_n3A_46 : i32
        %convert_element_type3A_207 = arith.extui %lt3A_206 : i1 to i32
        %cond3A_208 = arith.constant 0 : i32
        %cond3A_209 = arith.cmpi ne, %convert_element_type3A_207, %cond3A_208 : i32
        scf.if %cond3A_209 {
          %mul3A_210 = arith.constant 256 : i32
          %mul3A_211 = arith.muli %add3A_205, %mul3A_210 : i32
          %dma_wait3A = arith.constant 3 : i32
          %dma_wait3A_212 = arith.constant 0 : i32
          %dma_wait3A_213 = arith.constant 0 : i32
          %dma_wait3A_214 = tpu.memref_slice %arg5[%dma_wait3A, %dma_wait3A_212, %dma_wait3A_213] : memref<4x32x256xf32, #tpu.memory_space<vmem>> -> memref<1x32x256xf32, #tpu.memory_space<vmem>>
          %dma_wait3A_215 = tpu.memref_squeeze %dma_wait3A_214 : memref<1x32x256xf32, #tpu.memory_space<vmem>> -> memref<32x256xf32, #tpu.memory_space<vmem>>
          %dma_wait3A_216 = arith.constant 0 : i32
          %dma_wait3A_217 = tpu.memref_slice %arg2[%add3A_116, %dma_wait3A_216, %mul3A_211] : memref<26x32x100000xf32, #tpu.memory_space<hbm>> -> memref<1x32x256xf32, #tpu.memory_space<hbm>>
          %dma_wait3A_218 = tpu.memref_squeeze %dma_wait3A_217 : memref<1x32x256xf32, #tpu.memory_space<hbm>> -> memref<32x256xf32, #tpu.memory_space<hbm>>
          %dma_wait3A_219 = arith.constant 0 : i32
          %dma_wait3A_220 = arith.constant 0 : i32
          %dma_wait3A_221 = tpu.memref_slice %arg5[%dma_wait3A, %dma_wait3A_219, %dma_wait3A_220] : memref<4x32x256xf32, #tpu.memory_space<vmem>> -> memref<1x32x256xf32, #tpu.memory_space<vmem>>
          %dma_wait3A_222 = tpu.memref_squeeze %dma_wait3A_221 : memref<1x32x256xf32, #tpu.memory_space<vmem>> -> memref<32x256xf32, #tpu.memory_space<vmem>>
          %dma_wait3A_223 = arith.constant 0 : i32
          %dma_wait3A_224 = tpu.memref_slice %arg2[%add3A_116, %dma_wait3A_223, %mul3A_211] : memref<26x32x100000xf32, #tpu.memory_space<hbm>> -> memref<1x32x256xf32, #tpu.memory_space<hbm>>
          %dma_wait3A_225 = tpu.memref_squeeze %dma_wait3A_224 : memref<1x32x256xf32, #tpu.memory_space<hbm>> -> memref<32x256xf32, #tpu.memory_space<hbm>>
          tpu.wait_dma2 semaphore(%arg14 : memref<!tpu.dma_semaphore, #tpu.memory_space<semaphore_mem>>) src(%dma_wait3A_225 : memref<32x256xf32, #tpu.memory_space<hbm>>) dst(%dma_wait3A_222 : memref<32x256xf32, #tpu.memory_space<vmem>>)
          %mul3A_226 = arith.constant 99968 : i32
          %mul3A_227 = arith.muli %add3A_116, %mul3A_226 : i32
          %mul3A_228 = arith.constant 256 : i32
          %mul3A_229 = arith.muli %add3A_205, %mul3A_228 : i32
          %add3A_230 = arith.addi %mul3A_227, %mul3A_229 : i32
          %mul3A_231 = arith.constant 32 : i32
          %mul3A_232 = arith.muli %add3A_230, %mul3A_231 : i32
          %dma_start3A = tpu.memref_slice %arg4[%mul3A_232] : memref<83200000xf32, #tpu.memory_space<hbm>> -> memref<8192xf32, #tpu.memory_space<hbm>>
          %dma_start3A_233 = tpu.memref_slice %arg4[%mul3A_232] : memref<83200000xf32, #tpu.memory_space<hbm>> -> memref<8192xf32, #tpu.memory_space<hbm>>
          tpu.enqueue_dma source(%arg9 : memref<8192xf32, #tpu.memory_space<vmem>>) target(%dma_start3A_233 : memref<8192xf32, #tpu.memory_space<hbm>>) target_semaphore(%arg18 : memref<!tpu.dma_semaphore, #tpu.memory_space<semaphore_mem>>)
        } else {
        }
      }
    }
    %scan3A_80 = arith.constant 26 : i32
    %add3A_81 = arith.constant 0 : i32
    %add3A_82 = arith.addi %select_n3A, %add3A_81 : i32
    %lt3A = arith.cmpi slt, %add3A_82, %select_n3A_46 : i32
    %convert_element_type3A = arith.extui %lt3A : i1 to i32
    %cond3A = arith.constant 0 : i32
    %cond3A_83 = arith.cmpi ne, %convert_element_type3A, %cond3A : i32
    scf.if %cond3A_83 {
      %mul3A_112 = arith.constant 256 : i32
      %mul3A_113 = arith.muli %select_n3A, %mul3A_112 : i32
      %add3A_114 = arith.constant 0 : i32
      %add3A_115 = arith.addi %add3A_114, %mul3A_113 : i32
      %mul3A_116 = arith.constant 32 : i32
      %mul3A_117 = arith.muli %add3A_115, %mul3A_116 : i32
      %dma_wait3A = tpu.memref_slice %arg4[%mul3A_117] : memref<83200000xf32, #tpu.memory_space<hbm>> -> memref<8192xf32, #tpu.memory_space<hbm>>
      %dma_wait3A_118 = tpu.memref_slice %arg4[%mul3A_117] : memref<83200000xf32, #tpu.memory_space<hbm>> -> memref<8192xf32, #tpu.memory_space<hbm>>
      tpu.wait_dma2 semaphore(%arg15 : memref<!tpu.dma_semaphore, #tpu.memory_space<semaphore_mem>>) src(%arg6 : memref<8192xf32, #tpu.memory_space<vmem>>) dst(%dma_wait3A_118 : memref<8192xf32, #tpu.memory_space<hbm>>)
    } else {
    }
    %add3A_84 = arith.constant 1 : i32
    %add3A_85 = arith.addi %select_n3A, %add3A_84 : i32
    %lt3A_86 = arith.cmpi slt, %add3A_85, %select_n3A_46 : i32
    %convert_element_type3A_87 = arith.extui %lt3A_86 : i1 to i32
    %cond3A_88 = arith.constant 0 : i32
    %cond3A_89 = arith.cmpi ne, %convert_element_type3A_87, %cond3A_88 : i32
    scf.if %cond3A_89 {
      %mul3A_112 = arith.constant 256 : i32
      %mul3A_113 = arith.muli %select_n3A, %mul3A_112 : i32
      %add3A_114 = arith.constant 0 : i32
      %add3A_115 = arith.addi %add3A_114, %mul3A_113 : i32
      %mul3A_116 = arith.constant 32 : i32
      %mul3A_117 = arith.muli %add3A_115, %mul3A_116 : i32
      %dma_wait3A = tpu.memref_slice %arg4[%mul3A_117] : memref<83200000xf32, #tpu.memory_space<hbm>> -> memref<8192xf32, #tpu.memory_space<hbm>>
      %dma_wait3A_118 = tpu.memref_slice %arg4[%mul3A_117] : memref<83200000xf32, #tpu.memory_space<hbm>> -> memref<8192xf32, #tpu.memory_space<hbm>>
      tpu.wait_dma2 semaphore(%arg16 : memref<!tpu.dma_semaphore, #tpu.memory_space<semaphore_mem>>) src(%arg7 : memref<8192xf32, #tpu.memory_space<vmem>>) dst(%dma_wait3A_118 : memref<8192xf32, #tpu.memory_space<hbm>>)
    } else {
    }
    %add3A_90 = arith.constant 2 : i32
    %add3A_91 = arith.addi %select_n3A, %add3A_90 : i32
    %lt3A_92 = arith.cmpi slt, %add3A_91, %select_n3A_46 : i32
    %convert_element_type3A_93 = arith.extui %lt3A_92 : i1 to i32
    %cond3A_94 = arith.constant 0 : i32
    %cond3A_95 = arith.cmpi ne, %convert_element_type3A_93, %cond3A_94 : i32
    scf.if %cond3A_95 {
      %mul3A_112 = arith.constant 256 : i32
      %mul3A_113 = arith.muli %select_n3A, %mul3A_112 : i32
      %add3A_114 = arith.constant 0 : i32
      %add3A_115 = arith.addi %add3A_114, %mul3A_113 : i32
      %mul3A_116 = arith.constant 32 : i32
      %mul3A_117 = arith.muli %add3A_115, %mul3A_116 : i32
      %dma_wait3A = tpu.memref_slice %arg4[%mul3A_117] : memref<83200000xf32, #tpu.memory_space<hbm>> -> memref<8192xf32, #tpu.memory_space<hbm>>
      %dma_wait3A_118 = tpu.memref_slice %arg4[%mul3A_117] : memref<83200000xf32, #tpu.memory_space<hbm>> -> memref<8192xf32, #tpu.memory_space<hbm>>
      tpu.wait_dma2 semaphore(%arg17 : memref<!tpu.dma_semaphore, #tpu.memory_space<semaphore_mem>>) src(%arg8 : memref<8192xf32, #tpu.memory_space<vmem>>) dst(%dma_wait3A_118 : memref<8192xf32, #tpu.memory_space<hbm>>)
    } else {
    }
    %add3A_96 = arith.constant 3 : i32
    %add3A_97 = arith.addi %select_n3A, %add3A_96 : i32
    %lt3A_98 = arith.cmpi slt, %add3A_97, %select_n3A_46 : i32
    %convert_element_type3A_99 = arith.extui %lt3A_98 : i1 to i32
    %cond3A_100 = arith.constant 0 : i32
    %cond3A_101 = arith.cmpi ne, %convert_element_type3A_99, %cond3A_100 : i32
    scf.if %cond3A_101 {
      %mul3A_112 = arith.constant 256 : i32
      %mul3A_113 = arith.muli %select_n3A, %mul3A_112 : i32
      %add3A_114 = arith.constant 0 : i32
      %add3A_115 = arith.addi %add3A_114, %mul3A_113 : i32
      %mul3A_116 = arith.constant 32 : i32
      %mul3A_117 = arith.muli %add3A_115, %mul3A_116 : i32
      %dma_wait3A = tpu.memref_slice %arg4[%mul3A_117] : memref<83200000xf32, #tpu.memory_space<hbm>> -> memref<8192xf32, #tpu.memory_space<hbm>>
      %dma_wait3A_118 = tpu.memref_slice %arg4[%mul3A_117] : memref<83200000xf32, #tpu.memory_space<hbm>> -> memref<8192xf32, #tpu.memory_space<hbm>>
      tpu.wait_dma2 semaphore(%arg18 : memref<!tpu.dma_semaphore, #tpu.memory_space<semaphore_mem>>) src(%arg9 : memref<8192xf32, #tpu.memory_space<vmem>>) dst(%dma_wait3A_118 : memref<8192xf32, #tpu.memory_space<hbm>>)
    } else {
    }
    %lt3A_102 = arith.constant 26 : i32
    %lt3A_103 = arith.cmpi slt, %add3A, %lt3A_102 : i32
    %convert_element_type3A_104 = arith.extui %lt3A_103 : i1 to i32
    %cond3A_105 = arith.constant 0 : i32
    %cond3A_106 = arith.cmpi ne, %convert_element_type3A_104, %cond3A_105 : i32
    scf.if %cond3A_106 {
      %run_scoped3A = arith.constant 0 : i32
      "tpu.region"() ({
        %run_scoped3A_125 = tpu.sem_alloc : memref<!tpu.dma_semaphore, #tpu.memory_space<semaphore_mem>>
        %dma_start3A = arith.constant 0 : i32
        %dma_start3A_126 = arith.constant 0 : i32
        %dma_start3A_127 = tpu.memref_slice %arg5[%run_scoped3A, %dma_start3A, %dma_start3A_126] : memref<4x32x256xf32, #tpu.memory_space<vmem>> -> memref<1x32x128xf32, #tpu.memory_space<vmem>>
        %dma_start3A_128 = tpu.memref_squeeze %dma_start3A_127 : memref<1x32x128xf32, #tpu.memory_space<vmem>> -> memref<32x128xf32, #tpu.memory_space<vmem>>
        %dma_start3A_129 = arith.constant 0 : i32
        %dma_start3A_130 = arith.constant 99840 : i32
        %dma_start3A_131 = tpu.memref_slice %arg2[%add3A, %dma_start3A_129, %dma_start3A_130] : memref<26x32x100000xf32, #tpu.memory_space<hbm>> -> memref<1x32x128xf32, #tpu.memory_space<hbm>>
        %dma_start3A_132 = tpu.memref_squeeze %dma_start3A_131 : memref<1x32x128xf32, #tpu.memory_space<hbm>> -> memref<32x128xf32, #tpu.memory_space<hbm>>
        %dma_start3A_133 = arith.constant 0 : i32
        %dma_start3A_134 = arith.constant 0 : i32
        %dma_start3A_135 = tpu.memref_slice %arg5[%run_scoped3A, %dma_start3A_133, %dma_start3A_134] : memref<4x32x256xf32, #tpu.memory_space<vmem>> -> memref<1x32x128xf32, #tpu.memory_space<vmem>>
        %dma_start3A_136 = tpu.memref_squeeze %dma_start3A_135 : memref<1x32x128xf32, #tpu.memory_space<vmem>> -> memref<32x128xf32, #tpu.memory_space<vmem>>
        %dma_start3A_137 = arith.constant 0 : i32
        %dma_start3A_138 = arith.constant 99840 : i32
        %dma_start3A_139 = tpu.memref_slice %arg2[%add3A, %dma_start3A_137, %dma_start3A_138] : memref<26x32x100000xf32, #tpu.memory_space<hbm>> -> memref<1x32x128xf32, #tpu.memory_space<hbm>>
        %dma_start3A_140 = tpu.memref_squeeze %dma_start3A_139 : memref<1x32x128xf32, #tpu.memory_space<hbm>> -> memref<32x128xf32, #tpu.memory_space<hbm>>
        tpu.enqueue_dma source(%dma_start3A_140 : memref<32x128xf32, #tpu.memory_space<hbm>>) target(%dma_start3A_136 : memref<32x128xf32, #tpu.memory_space<vmem>>) target_semaphore(%run_scoped3A_125 : memref<!tpu.dma_semaphore, #tpu.memory_space<semaphore_mem>>)
        %dma_wait3A = arith.constant 0 : i32
        %dma_wait3A_141 = arith.constant 0 : i32
        %dma_wait3A_142 = tpu.memref_slice %arg5[%run_scoped3A, %dma_wait3A, %dma_wait3A_141] : memref<4x32x256xf32, #tpu.memory_space<vmem>> -> memref<1x32x128xf32, #tpu.memory_space<vmem>>
        %dma_wait3A_143 = tpu.memref_squeeze %dma_wait3A_142 : memref<1x32x128xf32, #tpu.memory_space<vmem>> -> memref<32x128xf32, #tpu.memory_space<vmem>>
        %dma_wait3A_144 = arith.constant 0 : i32
        %dma_wait3A_145 = arith.constant 99840 : i32
        %dma_wait3A_146 = tpu.memref_slice %arg2[%add3A, %dma_wait3A_144, %dma_wait3A_145] : memref<26x32x100000xf32, #tpu.memory_space<hbm>> -> memref<1x32x128xf32, #tpu.memory_space<hbm>>
        %dma_wait3A_147 = tpu.memref_squeeze %dma_wait3A_146 : memref<1x32x128xf32, #tpu.memory_space<hbm>> -> memref<32x128xf32, #tpu.memory_space<hbm>>
        %dma_wait3A_148 = arith.constant 0 : i32
        %dma_wait3A_149 = arith.constant 0 : i32
        %dma_wait3A_150 = tpu.memref_slice %arg5[%run_scoped3A, %dma_wait3A_148, %dma_wait3A_149] : memref<4x32x256xf32, #tpu.memory_space<vmem>> -> memref<1x32x128xf32, #tpu.memory_space<vmem>>
        %dma_wait3A_151 = tpu.memref_squeeze %dma_wait3A_150 : memref<1x32x128xf32, #tpu.memory_space<vmem>> -> memref<32x128xf32, #tpu.memory_space<vmem>>
        %dma_wait3A_152 = arith.constant 0 : i32
        %dma_wait3A_153 = arith.constant 99840 : i32
        %dma_wait3A_154 = tpu.memref_slice %arg2[%add3A, %dma_wait3A_152, %dma_wait3A_153] : memref<26x32x100000xf32, #tpu.memory_space<hbm>> -> memref<1x32x128xf32, #tpu.memory_space<hbm>>
        %dma_wait3A_155 = tpu.memref_squeeze %dma_wait3A_154 : memref<1x32x128xf32, #tpu.memory_space<hbm>> -> memref<32x128xf32, #tpu.memory_space<hbm>>
        tpu.wait_dma2 semaphore(%run_scoped3A_125 : memref<!tpu.dma_semaphore, #tpu.memory_space<semaphore_mem>>) src(%dma_wait3A_155 : memref<32x128xf32, #tpu.memory_space<hbm>>) dst(%dma_wait3A_151 : memref<32x128xf32, #tpu.memory_space<vmem>>)
        tpu.yield
      }) : () -> ()
      %scan3A_112 = arith.constant 0 : i32
      %scan3A_113 = arith.constant 32 : i32
      %scan3A_114 = arith.addi %scan3A_112, %scan3A_113 : i32
      %scan3A_115 = arith.constant 1 : i32
      scf.for %scan3A_125 = %scan3A_112 to %scan3A_114 step %scan3A_115  : i32 {
        %mul3A_126 = arith.constant 1 : i32
        %mul3A_127 = arith.muli %scan3A_125, %mul3A_126 : i32
        %add3A_128 = arith.constant 0 : i32
        %add3A_129 = arith.addi %add3A_128, %mul3A_127 : i32
        %add3A_130 = vector.broadcast %add3A_129 : i32 to vector<16xi32>
        %add3A_131 = arith.addi %mul3A_76, %add3A_130 : vector<16xi32>
        %get3A = arith.constant 0 : i32
        %get3A_132 = arith.index_cast %get3A : i32 to index
        %get3A_133 = arith.index_cast %add3A_129 : i32 to index
        %get3A_134 = arith.constant 0 : index
        %get3A_135 = tpu.vector_load %arg5[%get3A_132, %get3A_133, %get3A_134] {strides = array<i32>} : memref<4x32x256xf32, #tpu.memory_space<vmem>>, vector<16xf32>,
        %get3A_136 = arith.constant 0 : i32
        %get3A_137 = arith.index_cast %get3A_136 : i32 to index
        %get3A_138 = arith.index_cast %add3A_129 : i32 to index
        %get3A_139 = arith.constant 16 : index
        %get3A_140 = tpu.vector_load %arg5[%get3A_137, %get3A_138, %get3A_139] {strides = array<i32>} : memref<4x32x256xf32, #tpu.memory_space<vmem>>, vector<16xf32>,
        %get3A_141 = arith.constant 0 : i32
        %get3A_142 = arith.index_cast %get3A_141 : i32 to index
        %get3A_143 = arith.index_cast %add3A_129 : i32 to index
        %get3A_144 = arith.constant 32 : index
        %get3A_145 = tpu.vector_load %arg5[%get3A_142, %get3A_143, %get3A_144] {strides = array<i32>} : memref<4x32x256xf32, #tpu.memory_space<vmem>>, vector<16xf32>,
        %get3A_146 = arith.constant 0 : i32
        %get3A_147 = arith.index_cast %get3A_146 : i32 to index
        %get3A_148 = arith.index_cast %add3A_129 : i32 to index
        %get3A_149 = arith.constant 48 : index
        %get3A_150 = tpu.vector_load %arg5[%get3A_147, %get3A_148, %get3A_149] {strides = array<i32>} : memref<4x32x256xf32, #tpu.memory_space<vmem>>, vector<16xf32>,
        %get3A_151 = arith.constant 0 : i32
        %get3A_152 = arith.index_cast %get3A_151 : i32 to index
        %get3A_153 = arith.index_cast %add3A_129 : i32 to index
        %get3A_154 = arith.constant 64 : index
        %get3A_155 = tpu.vector_load %arg5[%get3A_152, %get3A_153, %get3A_154] {strides = array<i32>} : memref<4x32x256xf32, #tpu.memory_space<vmem>>, vector<16xf32>,
        %get3A_156 = arith.constant 0 : i32
        %get3A_157 = arith.index_cast %get3A_156 : i32 to index
        %get3A_158 = arith.index_cast %add3A_129 : i32 to index
        %get3A_159 = arith.constant 80 : index
        %get3A_160 = tpu.vector_load %arg5[%get3A_157, %get3A_158, %get3A_159] {strides = array<i32>} : memref<4x32x256xf32, #tpu.memory_space<vmem>>, vector<16xf32>,
        %get3A_161 = arith.constant 0 : i32
        %get3A_162 = arith.index_cast %get3A_161 : i32 to index
        %get3A_163 = arith.index_cast %add3A_129 : i32 to index
        %get3A_164 = arith.constant 96 : index
        %get3A_165 = tpu.vector_load %arg5[%get3A_162, %get3A_163, %get3A_164] {strides = array<i32>} : memref<4x32x256xf32, #tpu.memory_space<vmem>>, vector<16xf32>,
        %get3A_166 = arith.constant 0 : i32
        %get3A_167 = arith.index_cast %get3A_166 : i32 to index
        %get3A_168 = arith.index_cast %add3A_129 : i32 to index
        %get3A_169 = arith.constant 112 : index
        %get3A_170 = tpu.vector_load %arg5[%get3A_167, %get3A_168, %get3A_169] {strides = array<i32>} : memref<4x32x256xf32, #tpu.memory_space<vmem>>, vector<16xf32>,
        %add3A_171 = arith.constant 0 : i32
        %add3A_172 = vector.broadcast %add3A_171 : i32 to vector<16xi32>
        %add3A_173 = arith.addi %add3A_131, %add3A_172 : vector<16xi32>
        tpu.vector_store_idx %arg6[%add3A_173], %get3A_135 : memref<8192xf32, #tpu.memory_space<vmem>>[vector<16xi32>], vector<16xf32>,
        %add3A_174 = arith.constant 512 : i32
        %add3A_175 = vector.broadcast %add3A_174 : i32 to vector<16xi32>
        %add3A_176 = arith.addi %add3A_131, %add3A_175 : vector<16xi32>
        tpu.vector_store_idx %arg6[%add3A_176], %get3A_140 : memref<8192xf32, #tpu.memory_space<vmem>>[vector<16xi32>], vector<16xf32>,
        %add3A_177 = arith.constant 1024 : i32
        %add3A_178 = vector.broadcast %add3A_177 : i32 to vector<16xi32>
        %add3A_179 = arith.addi %add3A_131, %add3A_178 : vector<16xi32>
        tpu.vector_store_idx %arg6[%add3A_179], %get3A_145 : memref<8192xf32, #tpu.memory_space<vmem>>[vector<16xi32>], vector<16xf32>,
        %add3A_180 = arith.constant 1536 : i32
        %add3A_181 = vector.broadcast %add3A_180 : i32 to vector<16xi32>
        %add3A_182 = arith.addi %add3A_131, %add3A_181 : vector<16xi32>
        tpu.vector_store_idx %arg6[%add3A_182], %get3A_150 : memref<8192xf32, #tpu.memory_space<vmem>>[vector<16xi32>], vector<16xf32>,
        %add3A_183 = arith.constant 2048 : i32
        %add3A_184 = vector.broadcast %add3A_183 : i32 to vector<16xi32>
        %add3A_185 = arith.addi %add3A_131, %add3A_184 : vector<16xi32>
        tpu.vector_store_idx %arg6[%add3A_185], %get3A_155 : memref<8192xf32, #tpu.memory_space<vmem>>[vector<16xi32>], vector<16xf32>,
        %add3A_186 = arith.constant 2560 : i32
        %add3A_187 = vector.broadcast %add3A_186 : i32 to vector<16xi32>
        %add3A_188 = arith.addi %add3A_131, %add3A_187 : vector<16xi32>
        tpu.vector_store_idx %arg6[%add3A_188], %get3A_160 : memref<8192xf32, #tpu.memory_space<vmem>>[vector<16xi32>], vector<16xf32>,
        %add3A_189 = arith.constant 3072 : i32
        %add3A_190 = vector.broadcast %add3A_189 : i32 to vector<16xi32>
        %add3A_191 = arith.addi %add3A_131, %add3A_190 : vector<16xi32>
        tpu.vector_store_idx %arg6[%add3A_191], %get3A_165 : memref<8192xf32, #tpu.memory_space<vmem>>[vector<16xi32>], vector<16xf32>,
        %add3A_192 = arith.constant 3584 : i32
        %add3A_193 = vector.broadcast %add3A_192 : i32 to vector<16xi32>
        %add3A_194 = arith.addi %add3A_131, %add3A_193 : vector<16xi32>
        tpu.vector_store_idx %arg6[%add3A_194], %get3A_170 : memref<8192xf32, #tpu.memory_space<vmem>>[vector<16xi32>], vector<16xf32>,
      }
      %scan3A_116 = arith.constant 32 : i32
      %mul3A_117 = arith.constant 99968 : i32
      %mul3A_118 = arith.muli %add3A, %mul3A_117 : i32
      %add3A_119 = arith.constant 99968 : i32
      %add3A_120 = arith.addi %mul3A_118, %add3A_119 : i32
      %sub3A_121 = arith.constant 128 : i32
      %sub3A_122 = arith.subi %add3A_120, %sub3A_121 : i32
      %mul3A_123 = arith.constant 32 : i32
      %mul3A_124 = arith.muli %sub3A_122, %mul3A_123 : i32
      "tpu.region"() ({
        %run_scoped3A_125 = tpu.sem_alloc : memref<!tpu.dma_semaphore, #tpu.memory_space<semaphore_mem>>
        %dma_start3A = arith.constant 0 : i32
        %dma_start3A_126 = tpu.memref_slice %arg6[%dma_start3A] : memref<8192xf32, #tpu.memory_space<vmem>> -> memref<4096xf32, #tpu.memory_space<vmem>>
        %dma_start3A_127 = tpu.memref_slice %arg4[%mul3A_124] : memref<83200000xf32, #tpu.memory_space<hbm>> -> memref<4096xf32, #tpu.memory_space<hbm>>
        %dma_start3A_128 = tpu.memref_slice %arg4[%mul3A_124] : memref<83200000xf32, #tpu.memory_space<hbm>> -> memref<4096xf32, #tpu.memory_space<hbm>>
        %dma_start3A_129 = arith.constant 0 : i32
        %dma_start3A_130 = tpu.memref_slice %arg6[%dma_start3A_129] : memref<8192xf32, #tpu.memory_space<vmem>> -> memref<4096xf32, #tpu.memory_space<vmem>>
        tpu.enqueue_dma source(%dma_start3A_130 : memref<4096xf32, #tpu.memory_space<vmem>>) target(%dma_start3A_128 : memref<4096xf32, #tpu.memory_space<hbm>>) target_semaphore(%run_scoped3A_125 : memref<!tpu.dma_semaphore, #tpu.memory_space<semaphore_mem>>)
        %dma_wait3A = arith.constant 0 : i32
        %dma_wait3A_131 = tpu.memref_slice %arg6[%dma_wait3A] : memref<8192xf32, #tpu.memory_space<vmem>> -> memref<4096xf32, #tpu.memory_space<vmem>>
        %dma_wait3A_132 = tpu.memref_slice %arg4[%mul3A_124] : memref<83200000xf32, #tpu.memory_space<hbm>> -> memref<4096xf32, #tpu.memory_space<hbm>>
        %dma_wait3A_133 = tpu.memref_slice %arg4[%mul3A_124] : memref<83200000xf32, #tpu.memory_space<hbm>> -> memref<4096xf32, #tpu.memory_space<hbm>>
        %dma_wait3A_134 = arith.constant 0 : i32
        %dma_wait3A_135 = tpu.memref_slice %arg6[%dma_wait3A_134] : memref<8192xf32, #tpu.memory_space<vmem>> -> memref<4096xf32, #tpu.memory_space<vmem>>
        tpu.wait_dma2 semaphore(%run_scoped3A_125 : memref<!tpu.dma_semaphore, #tpu.memory_space<semaphore_mem>>) src(%dma_wait3A_135 : memref<4096xf32, #tpu.memory_space<vmem>>) dst(%dma_wait3A_133 : memref<4096xf32, #tpu.memory_space<hbm>>)
        tpu.yield
      }) : () -> ()
    } else {
    }
    %lt3A_107 = arith.constant 26 : i32
    %lt3A_108 = arith.cmpi slt, %add3A, %lt3A_107 : i32
    %convert_element_type3A_109 = arith.extui %lt3A_108 : i1 to i32
    %cond3A_110 = arith.constant 0 : i32
    %cond3A_111 = arith.cmpi ne, %convert_element_type3A_109, %cond3A_110 : i32
    scf.if %cond3A_111 {
      %mul3A_112 = arith.constant 1024 : i32
      %mul3A_113 = arith.muli %add3A, %mul3A_112 : i32
      "tpu.region"() ({
        %run_scoped3A = tpu.sem_alloc : memref<!tpu.dma_semaphore, #tpu.memory_space<semaphore_mem>>
        %dma_start3A = tpu.memref_slice %arg3[%mul3A_113] : memref<26624xf32, #tpu.memory_space<hbm>> -> memref<1024xf32, #tpu.memory_space<hbm>>
        %dma_start3A_120 = tpu.memref_slice %arg3[%mul3A_113] : memref<26624xf32, #tpu.memory_space<hbm>> -> memref<1024xf32, #tpu.memory_space<hbm>>
        tpu.enqueue_dma source(%dma_start3A_120 : memref<1024xf32, #tpu.memory_space<hbm>>) target(%arg10 : memref<1024xf32, #tpu.memory_space<vmem>>) target_semaphore(%run_scoped3A : memref<!tpu.dma_semaphore, #tpu.memory_space<semaphore_mem>>)
        %dma_wait3A = tpu.memref_slice %arg3[%mul3A_113] : memref<26624xf32, #tpu.memory_space<hbm>> -> memref<1024xf32, #tpu.memory_space<hbm>>
        %dma_wait3A_121 = tpu.memref_slice %arg3[%mul3A_113] : memref<26624xf32, #tpu.memory_space<hbm>> -> memref<1024xf32, #tpu.memory_space<hbm>>
        tpu.wait_dma2 semaphore(%run_scoped3A : memref<!tpu.dma_semaphore, #tpu.memory_space<semaphore_mem>>) src(%dma_wait3A_121 : memref<1024xf32, #tpu.memory_space<hbm>>) dst(%arg10 : memref<1024xf32, #tpu.memory_space<vmem>>)
        tpu.yield
      }) : () -> ()
      %mul3A_114 = arith.constant 32 : i32
      %mul3A_115 = arith.muli %add3A, %mul3A_114 : i32
      %add3A_116 = arith.constant 2599168 : i32
      %add3A_117 = arith.addi %add3A_116, %mul3A_115 : i32
      %mul3A_118 = arith.constant 32 : i32
      %mul3A_119 = arith.muli %add3A_117, %mul3A_118 : i32
      "tpu.region"() ({
        %run_scoped3A = tpu.sem_alloc : memref<!tpu.dma_semaphore, #tpu.memory_space<semaphore_mem>>
        %dma_start3A = tpu.memref_slice %arg4[%mul3A_119] : memref<83200000xf32, #tpu.memory_space<hbm>> -> memref<1024xf32, #tpu.memory_space<hbm>>
        %dma_start3A_120 = tpu.memref_slice %arg4[%mul3A_119] : memref<83200000xf32, #tpu.memory_space<hbm>> -> memref<1024xf32, #tpu.memory_space<hbm>>
        tpu.enqueue_dma source(%arg10 : memref<1024xf32, #tpu.memory_space<vmem>>) target(%dma_start3A_120 : memref<1024xf32, #tpu.memory_space<hbm>>) target_semaphore(%run_scoped3A : memref<!tpu.dma_semaphore, #tpu.memory_space<semaphore_mem>>)
        %dma_wait3A = tpu.memref_slice %arg4[%mul3A_119] : memref<83200000xf32, #tpu.memory_space<hbm>> -> memref<1024xf32, #tpu.memory_space<hbm>>
        %dma_wait3A_121 = tpu.memref_slice %arg4[%mul3A_119] : memref<83200000xf32, #tpu.memory_space<hbm>> -> memref<1024xf32, #tpu.memory_space<hbm>>
        tpu.wait_dma2 semaphore(%run_scoped3A : memref<!tpu.dma_semaphore, #tpu.memory_space<semaphore_mem>>) src(%arg10 : memref<1024xf32, #tpu.memory_space<vmem>>) dst(%dma_wait3A_121 : memref<1024xf32, #tpu.memory_space<hbm>>)
        tpu.yield
      }) : () -> ()
    } else {
    }
    return
  }
}

#map = affine_map<(d0, d1) -> (0, 0)>
#map1 = affine_map<(d0, d1) -> (0)>
module attributes {stable_mosaic.version = 14 : i64} {
  func.func @k(%arg0: i32, %arg1: i32, %arg2: memref<2600000x32xf32, #tpu.memory_space<hbm>>, %arg3: memref<81920xi32, #tpu.memory_space<hbm>>, %arg4: memref<1664xi32, #tpu.memory_space<hbm>>, %arg5: memref<1664xi32, #tpu.memory_space<hbm>>, %arg6: memref<1664xi32, #tpu.memory_space<hbm>>, %arg7: memref<2129920x32xf32, #tpu.memory_space<hbm>>, %arg8: memref<2560xi32, #tpu.memory_space<vmem>>, %arg9: memref<1664xi32, #tpu.memory_space<vmem>>, %arg10: memref<1664xi32, #tpu.memory_space<vmem>>, %arg11: memref<1664xi32, #tpu.memory_space<vmem>>, %arg12: memref<2x1664xi32, #tpu.memory_space<vmem>>, %arg13: memref<2x1664x32xf32, #tpu.memory_space<vmem>>, %arg14: memref<!tpu.dma_semaphore, #tpu.memory_space<semaphore_mem>>, %arg15: memref<!tpu.dma_semaphore, #tpu.memory_space<semaphore_mem>>, %arg16: memref<!tpu.dma_semaphore, #tpu.memory_space<semaphore_mem>>, %arg17: memref<!tpu.dma_semaphore, #tpu.memory_space<semaphore_mem>>) attributes {dimension_semantics = [#tpu.dimension_semantics<core_parallel>, #tpu.dimension_semantics<subcore_parallel>], iteration_bounds = array<i64: 2, 16>, scalar_prefetch = 0 : i64, scratch_operands = 10 : i64, tpu.core_type = #tpu.core_type<sc_vector_subcore>, window_params = [{transform_indices = #map}, {transform_indices = #map1}, {transform_indices = #map1}, {transform_indices = #map1}, {transform_indices = #map1}, {transform_indices = #map}]} {
    %mul3A = arith.constant 2 : i32
    %mul3A_0 = arith.muli %arg1, %mul3A : i32
    %add3A = arith.addi %mul3A_0, %arg0 : i32
    %mul3A_1 = arith.constant 2560 : i32
    %mul3A_2 = arith.muli %add3A, %mul3A_1 : i32
    "tpu.region"() ({
      %run_scoped3A = tpu.sem_alloc : memref<!tpu.dma_semaphore, #tpu.memory_space<semaphore_mem>>
      %dma_start3A = tpu.memref_slice %arg3[%mul3A_2] : memref<81920xi32, #tpu.memory_space<hbm>> -> memref<2560xi32, #tpu.memory_space<hbm>>
      %dma_start3A_40 = tpu.memref_slice %arg3[%mul3A_2] : memref<81920xi32, #tpu.memory_space<hbm>> -> memref<2560xi32, #tpu.memory_space<hbm>>
      tpu.enqueue_dma source(%dma_start3A_40 : memref<2560xi32, #tpu.memory_space<hbm>>) target(%arg8 : memref<2560xi32, #tpu.memory_space<vmem>>) target_semaphore(%run_scoped3A : memref<!tpu.dma_semaphore, #tpu.memory_space<semaphore_mem>>)
      %dma_wait3A_41 = tpu.memref_slice %arg3[%mul3A_2] : memref<81920xi32, #tpu.memory_space<hbm>> -> memref<2560xi32, #tpu.memory_space<hbm>>
      %dma_wait3A_42 = tpu.memref_slice %arg3[%mul3A_2] : memref<81920xi32, #tpu.memory_space<hbm>> -> memref<2560xi32, #tpu.memory_space<hbm>>
      tpu.wait_dma2 semaphore(%run_scoped3A : memref<!tpu.dma_semaphore, #tpu.memory_space<semaphore_mem>>) src(%dma_wait3A_42 : memref<2560xi32, #tpu.memory_space<hbm>>) dst(%arg8 : memref<2560xi32, #tpu.memory_space<vmem>>)
      tpu.yield
    }) : () -> ()
    "tpu.region"() ({
      %run_scoped3A = tpu.sem_alloc : memref<!tpu.dma_semaphore, #tpu.memory_space<semaphore_mem>>
      tpu.enqueue_dma source(%arg4 : memref<1664xi32, #tpu.memory_space<hbm>>) target(%arg9 : memref<1664xi32, #tpu.memory_space<vmem>>) target_semaphore(%run_scoped3A : memref<!tpu.dma_semaphore, #tpu.memory_space<semaphore_mem>>)
      tpu.wait_dma2 semaphore(%run_scoped3A : memref<!tpu.dma_semaphore, #tpu.memory_space<semaphore_mem>>) src(%arg4 : memref<1664xi32, #tpu.memory_space<hbm>>) dst(%arg9 : memref<1664xi32, #tpu.memory_space<vmem>>)
      tpu.yield
    }) : () -> ()
    "tpu.region"() ({
      %run_scoped3A = tpu.sem_alloc : memref<!tpu.dma_semaphore, #tpu.memory_space<semaphore_mem>>
      tpu.enqueue_dma source(%arg5 : memref<1664xi32, #tpu.memory_space<hbm>>) target(%arg10 : memref<1664xi32, #tpu.memory_space<vmem>>) target_semaphore(%run_scoped3A : memref<!tpu.dma_semaphore, #tpu.memory_space<semaphore_mem>>)
      tpu.wait_dma2 semaphore(%run_scoped3A : memref<!tpu.dma_semaphore, #tpu.memory_space<semaphore_mem>>) src(%arg5 : memref<1664xi32, #tpu.memory_space<hbm>>) dst(%arg10 : memref<1664xi32, #tpu.memory_space<vmem>>)
      tpu.yield
    }) : () -> ()
    "tpu.region"() ({
      %run_scoped3A = tpu.sem_alloc : memref<!tpu.dma_semaphore, #tpu.memory_space<semaphore_mem>>
      tpu.enqueue_dma source(%arg6 : memref<1664xi32, #tpu.memory_space<hbm>>) target(%arg11 : memref<1664xi32, #tpu.memory_space<vmem>>) target_semaphore(%run_scoped3A : memref<!tpu.dma_semaphore, #tpu.memory_space<semaphore_mem>>)
      tpu.wait_dma2 semaphore(%run_scoped3A : memref<!tpu.dma_semaphore, #tpu.memory_space<semaphore_mem>>) src(%arg6 : memref<1664xi32, #tpu.memory_space<hbm>>) dst(%arg11 : memref<1664xi32, #tpu.memory_space<vmem>>)
      tpu.yield
    }) : () -> ()
    %scan3A = arith.constant 0 : i32
    %scan3A_3 = arith.constant 20 : i32
    %scan3A_4 = arith.addi %scan3A, %scan3A_3 : i32
    %scan3A_5 = arith.constant 1 : i32
    scf.for %scan3A_40 = %scan3A to %scan3A_4 step %scan3A_5  : i32 {
      %mul3A_41 = arith.constant 1 : i32
      %mul3A_42 = arith.muli %scan3A_40, %mul3A_41 : i32
      %add3A_43 = arith.constant 0 : i32
      %add3A_44 = arith.addi %add3A_43, %mul3A_42 : i32
      %gt3A = arith.constant 0 : i32
      %gt3A_45 = arith.cmpi sgt, %add3A_44, %gt3A : i32
      %convert_element_type3A = arith.extui %gt3A_45 : i1 to i32
      %cond3A = arith.constant 0 : i32
      %cond3A_46 = arith.cmpi ne, %convert_element_type3A, %cond3A : i32
      scf.if %cond3A_46 {
        %sub3A = arith.constant 1 : i32
        %sub3A_165 = arith.subi %add3A_44, %sub3A : i32
        %mul3A_166 = arith.constant 2 : i32
        %mul3A_167 = arith.muli %sub3A_165, %mul3A_166 : i32
        %add3A_168 = arith.constant 0 : i32
        %add3A_169 = arith.addi %mul3A_167, %add3A_168 : i32
        %mul3A_170 = arith.constant 64 : i32
        %mul3A_171 = arith.muli %add3A_169, %mul3A_170 : i32
        %add3A_172 = arith.addi %mul3A_2, %mul3A_171 : i32
        %mul3A_173 = arith.constant 26 : i32
        %mul3A_174 = arith.muli %add3A_172, %mul3A_173 : i32
        %dma_wait3A_175 = arith.constant 0 : i32
        %dma_wait3A_176 = arith.constant 0 : i32
        %dma_wait3A_177 = arith.constant 0 : i32
        %dma_wait3A_178 = tpu.memref_slice %arg13[%dma_wait3A_175, %dma_wait3A_176, %dma_wait3A_177] : memref<2x1664x32xf32, #tpu.memory_space<vmem>> -> memref<1x1664x32xf32, #tpu.memory_space<vmem>>
        %dma_wait3A_179 = tpu.memref_squeeze %dma_wait3A_178 : memref<1x1664x32xf32, #tpu.memory_space<vmem>> -> memref<1664x32xf32, #tpu.memory_space<vmem>>
        %dma_wait3A_180 = arith.constant 0 : i32
        %dma_wait3A_181 = tpu.memref_slice %arg7[%mul3A_174, %dma_wait3A_180] : memref<2129920x32xf32, #tpu.memory_space<hbm>> -> memref<1664x32xf32, #tpu.memory_space<hbm>>
        %dma_wait3A_182 = arith.constant 0 : i32
        %dma_wait3A_183 = tpu.memref_slice %arg7[%mul3A_174, %dma_wait3A_182] : memref<2129920x32xf32, #tpu.memory_space<hbm>> -> memref<1664x32xf32, #tpu.memory_space<hbm>>
        %dma_wait3A_184 = arith.constant 0 : i32
        %dma_wait3A_185 = arith.constant 0 : i32
        %dma_wait3A_186 = tpu.memref_slice %arg13[%dma_wait3A_175, %dma_wait3A_184, %dma_wait3A_185] : memref<2x1664x32xf32, #tpu.memory_space<vmem>> -> memref<1x1664x32xf32, #tpu.memory_space<vmem>>
        %dma_wait3A_187 = tpu.memref_squeeze %dma_wait3A_186 : memref<1x1664x32xf32, #tpu.memory_space<vmem>> -> memref<1664x32xf32, #tpu.memory_space<vmem>>
        tpu.wait_dma2 semaphore(%arg16 : memref<!tpu.dma_semaphore, #tpu.memory_space<semaphore_mem>>) src(%dma_wait3A_187 : memref<1664x32xf32, #tpu.memory_space<vmem>>) dst(%dma_wait3A_183 : memref<1664x32xf32, #tpu.memory_space<hbm>>)
      } else {
      }
      %mul3A_47 = arith.constant 2 : i32
      %mul3A_48 = arith.muli %add3A_44, %mul3A_47 : i32
      %add3A_49 = arith.constant 0 : i32
      %add3A_50 = arith.addi %mul3A_48, %add3A_49 : i32
      %mul3A_51 = arith.constant 64 : i32
      %mul3A_52 = arith.muli %add3A_50, %mul3A_51 : i32
      %scan3A_53 = arith.constant 0 : i32
      %scan3A_54 = arith.constant 104 : i32
      %scan3A_55 = arith.addi %scan3A_53, %scan3A_54 : i32
      %scan3A_56 = arith.constant 1 : i32
      scf.for %scan3A_165 = %scan3A_53 to %scan3A_55 step %scan3A_56  : i32 {
        %mul3A_166 = arith.constant 1 : i32
        %mul3A_167 = arith.muli %scan3A_165, %mul3A_166 : i32
        %add3A_168 = arith.constant 0 : i32
        %add3A_169 = arith.addi %add3A_168, %mul3A_167 : i32
        %mul3A_170 = arith.constant 16 : i32
        %mul3A_171 = arith.muli %add3A_169, %mul3A_170 : i32
        %get3A = arith.index_cast %mul3A_171 : i32 to index
        %get3A_172 = tpu.vector_load %arg9[%get3A] {strides = array<i32>} : memref<1664xi32, #tpu.memory_space<vmem>>, vector<16xi32>,
        %add3A_173 = vector.broadcast %mul3A_52 : i32 to vector<16xi32>
        %add3A_174 = arith.addi %add3A_173, %get3A_172 : vector<16xi32>
        %gather3A = tpu.vector_load_idx %arg8[%add3A_174] : memref<2560xi32, #tpu.memory_space<vmem>>[vector<16xi32>], vector<16xi32>,
        %lt3A = arith.constant 99968 : i32
        %lt3A_175 = vector.broadcast %lt3A : i32 to vector<16xi32>
        %lt3A_176 = arith.cmpi slt, %gather3A, %lt3A_175 : vector<16xi32>
        %get3A_177 = arith.index_cast %mul3A_171 : i32 to index
        %get3A_178 = tpu.vector_load %arg10[%get3A_177] {strides = array<i32>} : memref<1664xi32, #tpu.memory_space<vmem>>, vector<16xi32>,
        %add3A_179 = arith.addi %gather3A, %get3A_178 : vector<16xi32>
        %get3A_180 = arith.index_cast %mul3A_171 : i32 to index
        %get3A_181 = tpu.vector_load %arg11[%get3A_180] {strides = array<i32>} : memref<1664xi32, #tpu.memory_space<vmem>>, vector<16xi32>,
        %add3A_182 = arith.addi %gather3A, %get3A_181 : vector<16xi32>
        %select_n3A = arith.select %lt3A_176, %add3A_179, %add3A_182 : vector<16xi1>, vector<16xi32>
        %swap3A = arith.constant 0 : i32
        %swap3A_183 = arith.index_cast %swap3A : i32 to index
        %swap3A_184 = arith.index_cast %mul3A_171 : i32 to index
        %swap3A_185 = tpu.vector_load %arg12[%swap3A_183, %swap3A_184] {strides = array<i32>} : memref<2x1664xi32, #tpu.memory_space<vmem>>, vector<16xi32>,
        tpu.vector_store %arg12[%swap3A_183, %swap3A_184], %select_n3A {strides = array<i32>} : memref<2x1664xi32, #tpu.memory_space<vmem>>, vector<16xi32>,
      }
      %scan3A_57 = arith.constant 104 : i32
      %dma_start3A = arith.constant 0 : i32
      %dma_start3A_58 = arith.constant 0 : i32
      %dma_start3A_59 = arith.constant 0 : i32
      %dma_start3A_60 = arith.constant 0 : i32
      %dma_start3A_61 = tpu.memref_slice %arg13[%dma_start3A_58, %dma_start3A_59, %dma_start3A_60] : memref<2x1664x32xf32, #tpu.memory_space<vmem>> -> memref<1x1664x32xf32, #tpu.memory_space<vmem>>
      %dma_start3A_62 = tpu.memref_squeeze %dma_start3A_61 : memref<1x1664x32xf32, #tpu.memory_space<vmem>> -> memref<1664x32xf32, #tpu.memory_space<vmem>>
      %dma_start3A_63 = arith.constant 0 : i32
      %dma_start3A_64 = tpu.memref_slice %arg12[%dma_start3A, %dma_start3A_63] : memref<2x1664xi32, #tpu.memory_space<vmem>> -> memref<1x1664xi32, #tpu.memory_space<vmem>>
      %dma_start3A_65 = tpu.memref_squeeze %dma_start3A_64 : memref<1x1664xi32, #tpu.memory_space<vmem>> -> memref<1664xi32, #tpu.memory_space<vmem>>
      %dma_start3A_66 = arith.constant 0 : i32
      %dma_start3A_67 = arith.constant 0 : i32
      %dma_start3A_68 = tpu.memref_slice %arg2[%dma_start3A_66, %dma_start3A_67] : memref<2600000x32xf32, #tpu.memory_space<hbm>> -> memref<2600000x32xf32, #tpu.memory_space<hbm>>
      tpu.enqueue_indirect_dma source(%dma_start3A_68 : memref<2600000x32xf32, #tpu.memory_space<hbm>>) target(%dma_start3A_62 : memref<1664x32xf32, #tpu.memory_space<vmem>>) offsets(%dma_start3A_65 : memref<1664xi32, #tpu.memory_space<vmem>>) semaphore(%arg14 : memref<!tpu.dma_semaphore, #tpu.memory_space<semaphore_mem>>)
      %gt3A_69 = arith.constant 0 : i32
      %gt3A_70 = arith.cmpi sgt, %add3A_44, %gt3A_69 : i32
      %convert_element_type3A_71 = arith.extui %gt3A_70 : i1 to i32
      %cond3A_72 = arith.constant 0 : i32
      %cond3A_73 = arith.cmpi ne, %convert_element_type3A_71, %cond3A_72 : i32
      scf.if %cond3A_73 {
        %sub3A = arith.constant 1 : i32
        %sub3A_165 = arith.subi %add3A_44, %sub3A : i32
        %mul3A_166 = arith.constant 2 : i32
        %mul3A_167 = arith.muli %sub3A_165, %mul3A_166 : i32
        %add3A_168 = arith.constant 1 : i32
        %add3A_169 = arith.addi %mul3A_167, %add3A_168 : i32
        %mul3A_170 = arith.constant 64 : i32
        %mul3A_171 = arith.muli %add3A_169, %mul3A_170 : i32
        %add3A_172 = arith.addi %mul3A_2, %mul3A_171 : i32
        %mul3A_173 = arith.constant 26 : i32
        %mul3A_174 = arith.muli %add3A_172, %mul3A_173 : i32
        %dma_wait3A_175 = arith.constant 1 : i32
        %dma_wait3A_176 = arith.constant 0 : i32
        %dma_wait3A_177 = arith.constant 0 : i32
        %dma_wait3A_178 = tpu.memref_slice %arg13[%dma_wait3A_175, %dma_wait3A_176, %dma_wait3A_177] : memref<2x1664x32xf32, #tpu.memory_space<vmem>> -> memref<1x1664x32xf32, #tpu.memory_space<vmem>>
        %dma_wait3A_179 = tpu.memref_squeeze %dma_wait3A_178 : memref<1x1664x32xf32, #tpu.memory_space<vmem>> -> memref<1664x32xf32, #tpu.memory_space<vmem>>
        %dma_wait3A_180 = arith.constant 0 : i32
        %dma_wait3A_181 = tpu.memref_slice %arg7[%mul3A_174, %dma_wait3A_180] : memref<2129920x32xf32, #tpu.memory_space<hbm>> -> memref<1664x32xf32, #tpu.memory_space<hbm>>
        %dma_wait3A_182 = arith.constant 0 : i32
        %dma_wait3A_183 = tpu.memref_slice %arg7[%mul3A_174, %dma_wait3A_182] : memref<2129920x32xf32, #tpu.memory_space<hbm>> -> memref<1664x32xf32, #tpu.memory_space<hbm>>
        %dma_wait3A_184 = arith.constant 0 : i32
        %dma_wait3A_185 = arith.constant 0 : i32
        %dma_wait3A_186 = tpu.memref_slice %arg13[%dma_wait3A_175, %dma_wait3A_184, %dma_wait3A_185] : memref<2x1664x32xf32, #tpu.memory_space<vmem>> -> memref<1x1664x32xf32, #tpu.memory_space<vmem>>
        %dma_wait3A_187 = tpu.memref_squeeze %dma_wait3A_186 : memref<1x1664x32xf32, #tpu.memory_space<vmem>> -> memref<1664x32xf32, #tpu.memory_space<vmem>>
        tpu.wait_dma2 semaphore(%arg17 : memref<!tpu.dma_semaphore, #tpu.memory_space<semaphore_mem>>) src(%dma_wait3A_187 : memref<1664x32xf32, #tpu.memory_space<vmem>>) dst(%dma_wait3A_183 : memref<1664x32xf32, #tpu.memory_space<hbm>>)
      } else {
      }
      %mul3A_74 = arith.constant 2 : i32
      %mul3A_75 = arith.muli %add3A_44, %mul3A_74 : i32
      %add3A_76 = arith.constant 1 : i32
      %add3A_77 = arith.addi %mul3A_75, %add3A_76 : i32
      %mul3A_78 = arith.constant 64 : i32
      %mul3A_79 = arith.muli %add3A_77, %mul3A_78 : i32
      %scan3A_80 = arith.constant 0 : i32
      %scan3A_81 = arith.constant 104 : i32
      %scan3A_82 = arith.addi %scan3A_80, %scan3A_81 : i32
      %scan3A_83 = arith.constant 1 : i32
      scf.for %scan3A_165 = %scan3A_80 to %scan3A_82 step %scan3A_83  : i32 {
        %mul3A_166 = arith.constant 1 : i32
        %mul3A_167 = arith.muli %scan3A_165, %mul3A_166 : i32
        %add3A_168 = arith.constant 0 : i32
        %add3A_169 = arith.addi %add3A_168, %mul3A_167 : i32
        %mul3A_170 = arith.constant 16 : i32
        %mul3A_171 = arith.muli %add3A_169, %mul3A_170 : i32
        %get3A = arith.index_cast %mul3A_171 : i32 to index
        %get3A_172 = tpu.vector_load %arg9[%get3A] {strides = array<i32>} : memref<1664xi32, #tpu.memory_space<vmem>>, vector<16xi32>,
        %add3A_173 = vector.broadcast %mul3A_79 : i32 to vector<16xi32>
        %add3A_174 = arith.addi %add3A_173, %get3A_172 : vector<16xi32>
        %gather3A = tpu.vector_load_idx %arg8[%add3A_174] : memref<2560xi32, #tpu.memory_space<vmem>>[vector<16xi32>], vector<16xi32>,
        %lt3A = arith.constant 99968 : i32
        %lt3A_175 = vector.broadcast %lt3A : i32 to vector<16xi32>
        %lt3A_176 = arith.cmpi slt, %gather3A, %lt3A_175 : vector<16xi32>
        %get3A_177 = arith.index_cast %mul3A_171 : i32 to index
        %get3A_178 = tpu.vector_load %arg10[%get3A_177] {strides = array<i32>} : memref<1664xi32, #tpu.memory_space<vmem>>, vector<16xi32>,
        %add3A_179 = arith.addi %gather3A, %get3A_178 : vector<16xi32>
        %get3A_180 = arith.index_cast %mul3A_171 : i32 to index
        %get3A_181 = tpu.vector_load %arg11[%get3A_180] {strides = array<i32>} : memref<1664xi32, #tpu.memory_space<vmem>>, vector<16xi32>,
        %add3A_182 = arith.addi %gather3A, %get3A_181 : vector<16xi32>
        %select_n3A = arith.select %lt3A_176, %add3A_179, %add3A_182 : vector<16xi1>, vector<16xi32>
        %swap3A = arith.constant 1 : i32
        %swap3A_183 = arith.index_cast %swap3A : i32 to index
        %swap3A_184 = arith.index_cast %mul3A_171 : i32 to index
        %swap3A_185 = tpu.vector_load %arg12[%swap3A_183, %swap3A_184] {strides = array<i32>} : memref<2x1664xi32, #tpu.memory_space<vmem>>, vector<16xi32>,
        tpu.vector_store %arg12[%swap3A_183, %swap3A_184], %select_n3A {strides = array<i32>} : memref<2x1664xi32, #tpu.memory_space<vmem>>, vector<16xi32>,
      }
      %scan3A_84 = arith.constant 104 : i32
      %dma_start3A_85 = arith.constant 1 : i32
      %dma_start3A_86 = arith.constant 1 : i32
      %dma_start3A_87 = arith.constant 0 : i32
      %dma_start3A_88 = arith.constant 0 : i32
      %dma_start3A_89 = tpu.memref_slice %arg13[%dma_start3A_86, %dma_start3A_87, %dma_start3A_88] : memref<2x1664x32xf32, #tpu.memory_space<vmem>> -> memref<1x1664x32xf32, #tpu.memory_space<vmem>>
      %dma_start3A_90 = tpu.memref_squeeze %dma_start3A_89 : memref<1x1664x32xf32, #tpu.memory_space<vmem>> -> memref<1664x32xf32, #tpu.memory_space<vmem>>
      %dma_start3A_91 = arith.constant 0 : i32
      %dma_start3A_92 = tpu.memref_slice %arg12[%dma_start3A_85, %dma_start3A_91] : memref<2x1664xi32, #tpu.memory_space<vmem>> -> memref<1x1664xi32, #tpu.memory_space<vmem>>
      %dma_start3A_93 = tpu.memref_squeeze %dma_start3A_92 : memref<1x1664xi32, #tpu.memory_space<vmem>> -> memref<1664xi32, #tpu.memory_space<vmem>>
      %dma_start3A_94 = arith.constant 0 : i32
      %dma_start3A_95 = arith.constant 0 : i32
      %dma_start3A_96 = tpu.memref_slice %arg2[%dma_start3A_94, %dma_start3A_95] : memref<2600000x32xf32, #tpu.memory_space<hbm>> -> memref<2600000x32xf32, #tpu.memory_space<hbm>>
      tpu.enqueue_indirect_dma source(%dma_start3A_96 : memref<2600000x32xf32, #tpu.memory_space<hbm>>) target(%dma_start3A_90 : memref<1664x32xf32, #tpu.memory_space<vmem>>) offsets(%dma_start3A_93 : memref<1664xi32, #tpu.memory_space<vmem>>) semaphore(%arg15 : memref<!tpu.dma_semaphore, #tpu.memory_space<semaphore_mem>>)
      %dma_wait3A_97 = arith.constant 0 : i32
      %dma_wait3A_98 = arith.constant 0 : i32
      %dma_wait3A_99 = arith.constant 0 : i32
      %dma_wait3A_100 = arith.constant 0 : i32
      %dma_wait3A_101 = tpu.memref_slice %arg13[%dma_wait3A_98, %dma_wait3A_99, %dma_wait3A_100] : memref<2x1664x32xf32, #tpu.memory_space<vmem>> -> memref<1x1664x32xf32, #tpu.memory_space<vmem>>
      %dma_wait3A_102 = tpu.memref_squeeze %dma_wait3A_101 : memref<1x1664x32xf32, #tpu.memory_space<vmem>> -> memref<1664x32xf32, #tpu.memory_space<vmem>>
      %dma_wait3A_103 = arith.constant 0 : i32
      %dma_wait3A_104 = tpu.memref_slice %arg12[%dma_wait3A_97, %dma_wait3A_103] : memref<2x1664xi32, #tpu.memory_space<vmem>> -> memref<1x1664xi32, #tpu.memory_space<vmem>>
      %dma_wait3A_105 = tpu.memref_squeeze %dma_wait3A_104 : memref<1x1664xi32, #tpu.memory_space<vmem>> -> memref<1664xi32, #tpu.memory_space<vmem>>
      %dma_wait3A_106 = arith.constant 0 : i32
      %dma_wait3A_107 = arith.constant 0 : i32
      %dma_wait3A_108 = tpu.memref_slice %arg2[%dma_wait3A_106, %dma_wait3A_107] : memref<2600000x32xf32, #tpu.memory_space<hbm>> -> memref<2600000x32xf32, #tpu.memory_space<hbm>>
      tpu.wait_indirect_dma semaphore(%arg14 : memref<!tpu.dma_semaphore, #tpu.memory_space<semaphore_mem>>) src(%dma_wait3A_108 : memref<2600000x32xf32, #tpu.memory_space<hbm>>) dst(%dma_wait3A_102 : memref<1664x32xf32, #tpu.memory_space<vmem>>)
      %mul3A_109 = arith.constant 2 : i32
      %mul3A_110 = arith.muli %add3A_44, %mul3A_109 : i32
      %add3A_111 = arith.constant 0 : i32
      %add3A_112 = arith.addi %mul3A_110, %add3A_111 : i32
      %mul3A_113 = arith.constant 64 : i32
      %mul3A_114 = arith.muli %add3A_112, %mul3A_113 : i32
      %add3A_115 = arith.addi %mul3A_2, %mul3A_114 : i32
      %mul3A_116 = arith.constant 26 : i32
      %mul3A_117 = arith.muli %add3A_115, %mul3A_116 : i32
      %dma_start3A_118 = arith.constant 0 : i32
      %dma_start3A_119 = arith.constant 0 : i32
      %dma_start3A_120 = arith.constant 0 : i32
      %dma_start3A_121 = tpu.memref_slice %arg13[%dma_start3A_118, %dma_start3A_119, %dma_start3A_120] : memref<2x1664x32xf32, #tpu.memory_space<vmem>> -> memref<1x1664x32xf32, #tpu.memory_space<vmem>>
      %dma_start3A_122 = tpu.memref_squeeze %dma_start3A_121 : memref<1x1664x32xf32, #tpu.memory_space<vmem>> -> memref<1664x32xf32, #tpu.memory_space<vmem>>
      %dma_start3A_123 = arith.constant 0 : i32
      %dma_start3A_124 = tpu.memref_slice %arg7[%mul3A_117, %dma_start3A_123] : memref<2129920x32xf32, #tpu.memory_space<hbm>> -> memref<1664x32xf32, #tpu.memory_space<hbm>>
      %dma_start3A_125 = arith.constant 0 : i32
      %dma_start3A_126 = tpu.memref_slice %arg7[%mul3A_117, %dma_start3A_125] : memref<2129920x32xf32, #tpu.memory_space<hbm>> -> memref<1664x32xf32, #tpu.memory_space<hbm>>
      %dma_start3A_127 = arith.constant 0 : i32
      %dma_start3A_128 = arith.constant 0 : i32
      %dma_start3A_129 = tpu.memref_slice %arg13[%dma_start3A_118, %dma_start3A_127, %dma_start3A_128] : memref<2x1664x32xf32, #tpu.memory_space<vmem>> -> memref<1x1664x32xf32, #tpu.memory_space<vmem>>
      %dma_start3A_130 = tpu.memref_squeeze %dma_start3A_129 : memref<1x1664x32xf32, #tpu.memory_space<vmem>> -> memref<1664x32xf32, #tpu.memory_space<vmem>>
      tpu.enqueue_dma source(%dma_start3A_130 : memref<1664x32xf32, #tpu.memory_space<vmem>>) target(%dma_start3A_126 : memref<1664x32xf32, #tpu.memory_space<hbm>>) target_semaphore(%arg16 : memref<!tpu.dma_semaphore, #tpu.memory_space<semaphore_mem>>)
      %dma_wait3A_131 = arith.constant 1 : i32
      %dma_wait3A_132 = arith.constant 1 : i32
      %dma_wait3A_133 = arith.constant 0 : i32
      %dma_wait3A_134 = arith.constant 0 : i32
      %dma_wait3A_135 = tpu.memref_slice %arg13[%dma_wait3A_132, %dma_wait3A_133, %dma_wait3A_134] : memref<2x1664x32xf32, #tpu.memory_space<vmem>> -> memref<1x1664x32xf32, #tpu.memory_space<vmem>>
      %dma_wait3A_136 = tpu.memref_squeeze %dma_wait3A_135 : memref<1x1664x32xf32, #tpu.memory_space<vmem>> -> memref<1664x32xf32, #tpu.memory_space<vmem>>
      %dma_wait3A_137 = arith.constant 0 : i32
      %dma_wait3A_138 = tpu.memref_slice %arg12[%dma_wait3A_131, %dma_wait3A_137] : memref<2x1664xi32, #tpu.memory_space<vmem>> -> memref<1x1664xi32, #tpu.memory_space<vmem>>
      %dma_wait3A_139 = tpu.memref_squeeze %dma_wait3A_138 : memref<1x1664xi32, #tpu.memory_space<vmem>> -> memref<1664xi32, #tpu.memory_space<vmem>>
      %dma_wait3A_140 = arith.constant 0 : i32
      %dma_wait3A_141 = arith.constant 0 : i32
      %dma_wait3A_142 = tpu.memref_slice %arg2[%dma_wait3A_140, %dma_wait3A_141] : memref<2600000x32xf32, #tpu.memory_space<hbm>> -> memref<2600000x32xf32, #tpu.memory_space<hbm>>
      tpu.wait_indirect_dma semaphore(%arg15 : memref<!tpu.dma_semaphore, #tpu.memory_space<semaphore_mem>>) src(%dma_wait3A_142 : memref<2600000x32xf32, #tpu.memory_space<hbm>>) dst(%dma_wait3A_136 : memref<1664x32xf32, #tpu.memory_space<vmem>>)
      %mul3A_143 = arith.constant 2 : i32
      %mul3A_144 = arith.muli %add3A_44, %mul3A_143 : i32
      %add3A_145 = arith.constant 1 : i32
      %add3A_146 = arith.addi %mul3A_144, %add3A_145 : i32
      %mul3A_147 = arith.constant 64 : i32
      %mul3A_148 = arith.muli %add3A_146, %mul3A_147 : i32
      %add3A_149 = arith.addi %mul3A_2, %mul3A_148 : i32
      %mul3A_150 = arith.constant 26 : i32
      %mul3A_151 = arith.muli %add3A_149, %mul3A_150 : i32
      %dma_start3A_152 = arith.constant 1 : i32
      %dma_start3A_153 = arith.constant 0 : i32
      %dma_start3A_154 = arith.constant 0 : i32
      %dma_start3A_155 = tpu.memref_slice %arg13[%dma_start3A_152, %dma_start3A_153, %dma_start3A_154] : memref<2x1664x32xf32, #tpu.memory_space<vmem>> -> memref<1x1664x32xf32, #tpu.memory_space<vmem>>
      %dma_start3A_156 = tpu.memref_squeeze %dma_start3A_155 : memref<1x1664x32xf32, #tpu.memory_space<vmem>> -> memref<1664x32xf32, #tpu.memory_space<vmem>>
      %dma_start3A_157 = arith.constant 0 : i32
      %dma_start3A_158 = tpu.memref_slice %arg7[%mul3A_151, %dma_start3A_157] : memref<2129920x32xf32, #tpu.memory_space<hbm>> -> memref<1664x32xf32, #tpu.memory_space<hbm>>
      %dma_start3A_159 = arith.constant 0 : i32
      %dma_start3A_160 = tpu.memref_slice %arg7[%mul3A_151, %dma_start3A_159] : memref<2129920x32xf32, #tpu.memory_space<hbm>> -> memref<1664x32xf32, #tpu.memory_space<hbm>>
      %dma_start3A_161 = arith.constant 0 : i32
      %dma_start3A_162 = arith.constant 0 : i32
      %dma_start3A_163 = tpu.memref_slice %arg13[%dma_start3A_152, %dma_start3A_161, %dma_start3A_162] : memref<2x1664x32xf32, #tpu.memory_space<vmem>> -> memref<1x1664x32xf32, #tpu.memory_space<vmem>>
      %dma_start3A_164 = tpu.memref_squeeze %dma_start3A_163 : memref<1x1664x32xf32, #tpu.memory_space<vmem>> -> memref<1664x32xf32, #tpu.memory_space<vmem>>
      tpu.enqueue_dma source(%dma_start3A_164 : memref<1664x32xf32, #tpu.memory_space<vmem>>) target(%dma_start3A_160 : memref<1664x32xf32, #tpu.memory_space<hbm>>) target_semaphore(%arg17 : memref<!tpu.dma_semaphore, #tpu.memory_space<semaphore_mem>>)
    }
    %scan3A_6 = arith.constant 20 : i32
    %add3A_7 = arith.constant 2432 : i32
    %add3A_8 = arith.addi %mul3A_2, %add3A_7 : i32
    %mul3A_9 = arith.constant 26 : i32
    %mul3A_10 = arith.muli %add3A_8, %mul3A_9 : i32
    %dma_wait3A = arith.constant 0 : i32
    %dma_wait3A_11 = arith.constant 0 : i32
    %dma_wait3A_12 = arith.constant 0 : i32
    %dma_wait3A_13 = tpu.memref_slice %arg13[%dma_wait3A, %dma_wait3A_11, %dma_wait3A_12] : memref<2x1664x32xf32, #tpu.memory_space<vmem>> -> memref<1x1664x32xf32, #tpu.memory_space<vmem>>
    %dma_wait3A_14 = tpu.memref_squeeze %dma_wait3A_13 : memref<1x1664x32xf32, #tpu.memory_space<vmem>> -> memref<1664x32xf32, #tpu.memory_space<vmem>>
    %dma_wait3A_15 = arith.constant 0 : i32
    %dma_wait3A_16 = tpu.memref_slice %arg7[%mul3A_10, %dma_wait3A_15] : memref<2129920x32xf32, #tpu.memory_space<hbm>> -> memref<1664x32xf32, #tpu.memory_space<hbm>>
    %dma_wait3A_17 = arith.constant 0 : i32
    %dma_wait3A_18 = tpu.memref_slice %arg7[%mul3A_10, %dma_wait3A_17] : memref<2129920x32xf32, #tpu.memory_space<hbm>> -> memref<1664x32xf32, #tpu.memory_space<hbm>>
    %dma_wait3A_19 = arith.constant 0 : i32
    %dma_wait3A_20 = arith.constant 0 : i32
    %dma_wait3A_21 = tpu.memref_slice %arg13[%dma_wait3A, %dma_wait3A_19, %dma_wait3A_20] : memref<2x1664x32xf32, #tpu.memory_space<vmem>> -> memref<1x1664x32xf32, #tpu.memory_space<vmem>>
    %dma_wait3A_22 = tpu.memref_squeeze %dma_wait3A_21 : memref<1x1664x32xf32, #tpu.memory_space<vmem>> -> memref<1664x32xf32, #tpu.memory_space<vmem>>
    tpu.wait_dma2 semaphore(%arg16 : memref<!tpu.dma_semaphore, #tpu.memory_space<semaphore_mem>>) src(%dma_wait3A_22 : memref<1664x32xf32, #tpu.memory_space<vmem>>) dst(%dma_wait3A_18 : memref<1664x32xf32, #tpu.memory_space<hbm>>)
    %add3A_23 = arith.constant 2496 : i32
    %add3A_24 = arith.addi %mul3A_2, %add3A_23 : i32
    %mul3A_25 = arith.constant 26 : i32
    %mul3A_26 = arith.muli %add3A_24, %mul3A_25 : i32
    %dma_wait3A_27 = arith.constant 1 : i32
    %dma_wait3A_28 = arith.constant 0 : i32
    %dma_wait3A_29 = arith.constant 0 : i32
    %dma_wait3A_30 = tpu.memref_slice %arg13[%dma_wait3A_27, %dma_wait3A_28, %dma_wait3A_29] : memref<2x1664x32xf32, #tpu.memory_space<vmem>> -> memref<1x1664x32xf32, #tpu.memory_space<vmem>>
    %dma_wait3A_31 = tpu.memref_squeeze %dma_wait3A_30 : memref<1x1664x32xf32, #tpu.memory_space<vmem>> -> memref<1664x32xf32, #tpu.memory_space<vmem>>
    %dma_wait3A_32 = arith.constant 0 : i32
    %dma_wait3A_33 = tpu.memref_slice %arg7[%mul3A_26, %dma_wait3A_32] : memref<2129920x32xf32, #tpu.memory_space<hbm>> -> memref<1664x32xf32, #tpu.memory_space<hbm>>
    %dma_wait3A_34 = arith.constant 0 : i32
    %dma_wait3A_35 = tpu.memref_slice %arg7[%mul3A_26, %dma_wait3A_34] : memref<2129920x32xf32, #tpu.memory_space<hbm>> -> memref<1664x32xf32, #tpu.memory_space<hbm>>
    %dma_wait3A_36 = arith.constant 0 : i32
    %dma_wait3A_37 = arith.constant 0 : i32
    %dma_wait3A_38 = tpu.memref_slice %arg13[%dma_wait3A_27, %dma_wait3A_36, %dma_wait3A_37] : memref<2x1664x32xf32, #tpu.memory_space<vmem>> -> memref<1x1664x32xf32, #tpu.memory_space<vmem>>
    %dma_wait3A_39 = tpu.memref_squeeze %dma_wait3A_38 : memref<1x1664x32xf32, #tpu.memory_space<vmem>> -> memref<1664x32xf32, #tpu.memory_space<vmem>>
    tpu.wait_dma2 semaphore(%arg17 : memref<!tpu.dma_semaphore, #tpu.memory_space<semaphore_mem>>) src(%dma_wait3A_39 : memref<1664x32xf32, #tpu.memory_space<vmem>>) dst(%dma_wait3A_35 : memref<1664x32xf32, #tpu.memory_space<hbm>>)
    return
  }
}

</mosaic_0001>

<sc_bundles>
// kernel: kernel.4.cloned.1.call-start
scs
__scs_entry_jumppad:
0x0: {  	(pc) =	sbr.rel $0x88, $3  }
0x1: {  	(tag) =	ssettag $0x0;
	lr =	simm.s32 $0x1  }
0x2: {  	[smem:$0x3F9F] =	sst lr;
	_ =	strace $0xD0000000  }
0x3: {  	_ = 	snop  }
0x4: {  	_ = 	snop  }
0x5: {  	_ = 	snop  }
0x6: {  	_ = 	snop  }
0x7: {  	_ = 	snop  }
__scs_overlays_trampoline_lowered:
0x8: {  	[smem:$0x3FAE] =	sst s0  }
0x9: {  	[smem:$0x3FAF] =	sst s1  }
0xa: {  	[smem:$0x3FB0] =	sst s2  }
0xb: {  	[smem:$0x3FB1] =	sst s3  }
0xc: {  	[smem:$0x3FB2] =	sst s4  }
0xd: {  	[smem:$0x3FB3] =	sst s5  }
0xe: {  	[smem:$0x3FB4] =	sst s6  }
0xf: {  	[smem:$0x3FB5] =	sst s7  }
0x10: {  	[smem:$0x3FB6] =	sst s8  }
0x11: {  	[smem:$0x3FB7] =	sst s9;
	s0 =	simm.s32 @!p0 $0x0  }
0x12: {  	s1 =	sld [smem:$0x3F9D];
	s0 =	simm.s32 @p0 $0x1  }
0x13: {  	[smem:$0x3FB8] =	sst s0;
	s0 =	simm.s32 @!p1 $0x0  }
0x14: {  	s2 =	sld [smem:$0x3F9C];
	s0 =	simm.s32 @p1 $0x1  }
0x15: {  	[smem:$0x3FB9] =	sst s0;
	s0 =	simm.s32 @!p2 $0x0  }
0x16: {  	s3 =	sld [smem:$0x3FDB];
	s0 =	simm.s32 @p2 $0x1  }
0x17: {  	s4 =	simm.s32 $0x1BF5;
	[smem:$0x3FBB] =	sst s0  }
0x18: {  	s0 =	sld [smem:$0x3F9E];
	_ =	swait.ge [sflag:s4], $0x0  }
0x19: {  	s7 =	sld [smem:$0x3F9F]  }
0x1a: {  	s8 =	sadd.s32 $0xFFFFE003, lr  }
0x1b: {  	s9 =	sadd.s32 $0xFFFFFEF7, lr;
	s5 =	simm.s32 $0xFFFFFFFF;
	p2 =	slt.u32 s8, $0xFFFFF086  }
0x1c: {  	p1 =	slt.u32 s9, $0xF7A;
	s5 =	simm.s32 @!p2 $0x0  }
0x1d: {  	s5 =	simm.s32 @p1 $0x1;
	p0 =	seq.s32 s7, s2  }
0x1e: {  	s7 =	smul.u32 @!p0 $0xF7A, s2;
	p2 =	seq.s32 @!p0 s5, $0x0  }
0x1f: {  	s9 =	smul.u32 $0xF7A, s1;
	s8 =	simm.s32 @!p0 $0x1BF5;
	p2 =	por !p2, p0  }
0x20: {  	[sflag:s8] =	ssyncset.s32 @!p0 $0xFFFFF086;
	s6 =	sadd.s32 @!p0 s3, s7;
	s7 =	simm.s32 @!p0 $0x108  }
0x21: {  	s3 =	sadd.s32 s3, s9;
	s6 =	sadd.s32 @!p0 $0x88, s6;
	s7 =	simm.s32 @p2 $0x1082  }
0x22: {  	[simem:s7], [sflag:s8] =	dma.local @!p0 [hbm:s6], $0xF7A  }
0x23: {  	s9 =	sor.u32 $0xD0000000, s2;
	s6 =	simm.s32 $0x108;
	_ =	swait.ge @!p0 [sflag:s8], $0x0  }
0x24: {  	s3 =	sadd.s32 $0x88, s3;
	s6 =	simm.s32 @!p1 $0x1082;
	[sflag:s4] =	ssyncset.s32 $0xFFFFF086  }
0x25: {  	[simem:s6], [sflag:s4] =	dma.local [hbm:s3], $0xF7A  }
0x26: {  	[smem:$0x3F9F] =	sst s1;
	(tag) =	ssettag s2;
	_ =	strace s9  }
0x27: {  	s1 =	sld [smem:$0x3FAF]  }
0x28: {  	s2 =	sld [smem:$0x3FB0]  }
0x29: {  	s4 =	sld [smem:$0x3FB2]  }
0x2a: {  	p0 =	seq.s32 s5, $0x0;
	s5 =	sld [smem:$0x3FB3]  }
0x2b: {  	s6 =	sld [smem:$0x3FB4]  }
0x2c: {  	s7 =	sld [smem:$0x3FB5]  }
0x2d: {  	s3 =	simm.s32 $0x108;
	s8 =	sld [smem:$0x3FB6]  }
0x2e: {  	s3 =	simm.s32 @!p0 $0x1082;
	s9 =	sld [smem:$0x3FB7]  }
0x2f: {  	lr =	sadd.s32 s0, s3;
	s0 =	sld [smem:$0x3FAE]  }
0x30: {  	s3 =	sld [smem:$0x3FB1]  }
0x31: {  	[smem:$0x3FBA] =	sst s10  }
0x32: {  	s10 =	sld [smem:$0x3FB8];
	_ =	sdelay $0x3  }
0x33: {  	p0 =	seq.s32 s10, $0x1;
	s10 =	sld [smem:$0x3FBA];
	_ =	sdelay $0x3  }
0x34: {  	[smem:$0x3FBA] =	sst s10  }
0x35: {  	s10 =	sld [smem:$0x3FB9];
	_ =	sdelay $0x3  }
0x36: {  	p1 =	seq.s32 s10, $0x1;
	s10 =	sld [smem:$0x3FBA];
	_ =	sdelay $0x3  }
0x37: {  	[smem:$0x3FBA] =	sst s10  }
0x38: {  	s10 =	sld [smem:$0x3FBB]  }
0x39: {  	_ = 	snop;
	(pc) =	sbr.ind lr, $3  }
0x3a: {  	_ = 	snop  }
0x3b: {  	_ = 	snop  }
0x3c: {  	p2 =	seq.s32 s10, $0x1;
	s10 =	sld [smem:$0x3FBA]  }
0x3d: {  	_ =	shalt  }
0x3e: {  	_ =	shalt  }
0x3f: {  	_ =	shalt  }
0x40: {  	_ =	shalt  }
0x41: {  	_ =	shalt  }
0x42: {  	_ =	shalt  }
0x43: {  	_ =	shalt  }
0x44: {  	_ =	shalt  }
0x45: {  	_ =	shalt  }
0x46: {  	_ =	shalt  }
0x47: {  	_ =	shalt  }
0x48: {  	_ =	shalt  }
0x49: {  	_ =	shalt  }
0x4a: {  	_ =	shalt  }
0x4b: {  	_ =	shalt  }
0x4c: {  	_ =	shalt  }
0x4d: {  	_ =	shalt  }
0x4e: {  	_ =	shalt  }
0x4f: {  	_ =	shalt  }
0x50: {  	_ =	shalt  }
0x51: {  	_ =	shalt  }
0x52: {  	_ =	shalt  }
0x53: {  	_ =	shalt  }
0x54: {  	_ =	shalt  }
0x55: {  	_ =	shalt  }
0x56: {  	_ =	shalt  }
0x57: {  	_ =	shalt  }
0x58: {  	_ =	shalt  }
0x59: {  	_ =	shalt  }
0x5a: {  	_ =	shalt  }
0x5b: {  	_ =	shalt  }
0x5c: {  	_ =	shalt  }
0x5d: {  	_ =	shalt  }
0x5e: {  	_ =	shalt  }
0x5f: {  	_ =	shalt  }
0x60: {  	_ =	shalt  }
0x61: {  	_ =	shalt  }
0x62: {  	_ =	shalt  }
0x63: {  	_ =	shalt  }
0x64: {  	_ =	shalt  }
0x65: {  	_ =	shalt  }
0x66: {  	_ =	shalt  }
0x67: {  	_ =	shalt  }
0x68: {  	_ =	shalt  }
0x69: {  	_ =	shalt  }
0x6a: {  	_ =	shalt  }
0x6b: {  	_ =	shalt  }
0x6c: {  	_ =	shalt  }
0x6d: {  	_ =	shalt  }
0x6e: {  	_ =	shalt  }
0x6f: {  	_ =	shalt  }
0x70: {  	_ =	shalt  }
0x71: {  	_ =	shalt  }
0x72: {  	_ =	shalt  }
0x73: {  	_ =	shalt  }
0x74: {  	_ =	shalt  }
0x75: {  	_ =	shalt  }
0x76: {  	_ =	shalt  }
0x77: {  	_ =	shalt  }
0x78: {  	_ =	shalt  }
0x79: {  	_ =	shalt  }
0x7a: {  	_ =	shalt  }
0x7b: {  	_ =	shalt  }
0x7c: {  	_ =	shalt  }
0x7d: {  	_ =	shalt  }
0x7e: {  	_ =	shalt  }
0x7f: {  	_ =	shalt  }
0x80: {  	_ =	shalt  }
0x81: {  	_ =	shalt  }
0x82: {  	_ =	shalt  }
0x83: {  	_ =	shalt  }
0x84: {  	_ =	shalt  }
0x85: {  	_ =	shalt  }
0x86: {  	_ =	shalt  }
0x87: {  	_ =	shalt  }
.Lfunc_end0:
.L_simem_size_0:
called_computation.1_lowered:
.L_overlay_start_0:
0x88: {  	s2 =	sld [smem:$0x3FD9]  }
0x89: {  	s3 =	sld [smem:$0x3FFE];
	_ =	sdelay $0x1  }
0x8a: {  	s1 =	srdreg.scid  }
0x8b: {  	s0 =	sand.u32 $0x1, s1  }
0x8c: {  	s17 =	sshll.u32 s0, $0xA;
	s2 =	sadd.s32 s3, s2  }
0x8d: {  	s2 =	sadd.s32 s2, s17  }
0x8e: {  	[smem:$0x3FC6] =	sst s2  }
0x8f: {  	_ = 	snop  }
0x90: {  	s2 =	sld [smem:$0x3FC8]  }
0x91: {  	s18 =	sld [smem:$0x3FD0];
	(tm) =	ssettm $0x1  }
0x92: {  	s4 =	sld [smem:$0x3FFB];
	_ =	sdelay $0x3  }
0x93: {  	_ =	strace s4  }
0x94: {  	s4 =	sld [smem:$0x3FFC];
	_ =	sdelay $0x3  }
0x95: {  	_ =	strace s4  }
0x96: {  	s4 =	sld [smem:$0x3FFD];
	_ =	sdelay $0x3  }
0x97: {  	_ =	strace s4  }
0x98: {  	_ =	strace $0x8FFFFFFF  }
0x99: {  	s19 =	sld [smem:$0x3FDB];
	_ =	sdelay $0x1  }
0x9a: {  	s5 =	simm.s32 $_scs_section_size  }
0x9b: {  	s6 =	simm.s32 $_size__tile_overlayer_lowered;
	s7 =	simm.s32 $_tile_overlayer_lowered  }
0x9c: {  	s22 =	simm.s32 $0x1BFF;
	s21 =	sshll.u32 s7, $0x1;
	s4 =	sadd.s32 s5, s19  }
0x9d: {  	s8 =	simm.s32 $0x0;
	s20 =	sshll.u32 s6, $0x1;
	s6 =	sadd.s32 s21, s4  }
0x9e: {  	[timem:s8], [sflag:s22] =	dma.local [hbm:s6], s20  }
0x9f: {  	_ =	swait.ge [sflag:s22], s20  }
0xa0: {  	s5 =	ssub.s32 $0x0, s20;
	[sflag:s22] =	ssyncset.done $0x0  }
0xa1: {  	[sflag:s22] =	ssyncadd.s32 s5;
	_ =	sdelay $0x1  }
0xa2: {  	s23 =	simm.s32 $0x1B8B  }
0xa3: {  	_ =	swait.ge [sflag:s23], $0x1  }
0xa4: {  	[sflag:s23] =	ssyncset.done $0x0  }
0xa5: {  	s25 =	simm.s32 $0x1B8E;
	s24 =	sld [smem:$0x3FFE];
	[sflag:s23] =	ssyncadd.s32 $0xFFFFFFFF  }
0xa6: {  	s26 =	simm.s32 $execute0_lowered;
	[smem:$0x3FD2] =	sst s25  }
0xa7: {  	s6 =	sshll.u32 s26, $0x1;
	_ =	strace $0x80000046;
	[dreg:$0x1] =	wrdreg $0xFFFFFFFF  }
0xa8: {  	s28 =	simm.s32 $_size_execute0_lowered;
	s4 =	sadd.s32 s4, s6;
	[dreg:$0x0] =	wrdreg $0x0  }
0xa9: {  	s6 =	sshll.u32 s28, $0x1;
	[dreg:$0x2] =	wrdreg s4  }
0xaa: {  	[dreg:$0x3] =	wrdreg s6  }
0xab: {  	[dreg:$0x4] =	wrdreg $0xC0  }
0xac: {  	_ =	task [dreg:s8], $0x5FFFF  }
0xad: {  	[dreg:$0x1] =	wrdreg $0xFFFFFFFF  }
0xae: {  	[dreg:$0x0] =	wrdreg $0x60  }
0xaf: {  	[dreg:$0x2] =	wrdreg s2  }
0xb0: {  	[dreg:$0x3] =	wrdreg s18  }
0xb1: {  	[dreg:$0x4] =	wrdreg s24  }
0xb2: {  	[dreg:$0x5] =	wrdreg $0x9  }
0xb3: {  	_ =	task.clear_ibuf [dreg:s8], $0x6FFFF;
	_ =	strace $0x90000046  }
0xb4: {  	s29 =	simm.s32 $0x9;
	_ =	strace $0x80000048  }
0xb5: {  	_ =	swait.ge [sflag:s29], $0x1  }
0xb6: {  	[sflag:s29] =	ssyncadd.s32 $0xFFFFFFFF  }
0xb7: {  	_ =	strace $0x90000048  }
0xb8: {  	_ =	sfence  }
0xb9: {  	s30 =	sld [smem:$0x0];
	_ =	sdelay $0x2  }
0xba: {  	s31 =	sshll.u32 s1, $0xD;
	s1 =	sshrl.u32 s1, $0x2  }
0xbb: {  	s3 =	sand.u32 $0x4000, s31;
	s1 =	sadd.s32 s1, s30  }
0xbc: {  	s0 =	sor.u32 s3, s0;
	s1 =	sshll.u32 s1, $0x11  }
0xbd: {  	s0 =	sor.u32 s1, s0  }
0xbe: {  	s0 =	sadd.s32 $0x8F2B, s0  }
0xbf: {  	[sflag:s0] =	ssyncadd.remote.s32 $0x1  }
0xc0: {  	_ =	sfence.sel $0xFFFF  }
0xc1: {  	[dreg:$0x0] =	wrdreg $0xFFFFFFFF;
	(pc) =	sbr.abs _section_cstart, $3  }
0xc2: {  	[dreg:$0x1] =	wrdreg $0xFFFFFFFF  }
0xc3: {  	_ =	task.clear_ibuf [dreg:s8], $0x2FFFF;
	_ =	strace $0x9FFFFFFF  }
0xc4: {  	(tm) =	ssettm $0x7FFFFFFF  }
0xc5: {  	_ =	shalt  }
tec
execute0_lowered:
.L_overlay_start_1:
0x0: {  	(tag) =	ssettag $0x1  }
0x1: {  	s0 =	srdreg.scid;
	s6 =	rddreg [dreg:$0x0]  }
0x2: {  	s16 =	stileid.u32;
	s7 =	rddreg [dreg:$0x1]  }
0x3: {  	s4 =	rddreg [dreg:$0x2];
	s0 =	sand.u32 $0x1, s0;
	s1 =	sshll.u32 s16, $0x1  }
0x4: {  	s19 =	simm.s32 $0x0;
	s17 =	simm.s32 $0x8000;
	s1 =	sor.u32 s0, s1  }
0x5: {  	[smem:$0x7FF] =	sst s19;
	s10 =	sadd.s32 $0xE00, s4;
	s2 =	smul.u32 $0x186, s1  }
0x6: {  	s25 =	smul.u32 $0x30C, s16;
	s19 =	simm.s32 $0x0;
	_ =	strace $0x80000047  }
0x7: {  	s11 =	ssub.s32 $0x2, s0;
	s0 =	smul.u32 $0x186, s0;
	s3 =	sadd.s32 $0x186, s2  }
0x8: {  	s22 =	smul.u32 $0x30E000, s1;
	s8 =	sshrl.u32 s2, $0x5;
	s2 =	sshrl.u32 s3, $0x5  }
0x9: {  	s21 =	sshrl.u32 s11, $0x1;
	s23 =	smul.u32 $0x30D000, s1;
	s5 =	ssub.s32 s2, s8  }
0xa: {  	s1 =	sshll.u32 s1, $0x7;
	s11 =	ssub.s32 s11, s21;
	s9 =	sadd.s32 $0x3, s5  }
0xb: {  	s0 =	sadd.s32 s0, s25;
	s28 =	sadd.s32 s1, s10;
	s20 =	sshll.u32 s9, $0x10  }
0xc: {  	s1 =	sadd.s32 s7, s1;
	s12 =	sand.u32 $0x3, s9;
	s4 =	sshra.s32 s20, $0x1F  }
0xd: {  	p0 =	slt.s32 s5, $0xFFFFFFFE;
	p1 =	sne.s32 s12, $0x0;
	s4 =	sand.u32 $0x3, s4  }
0xe: {  	s24 =	sshrl.u32 s22, $0x3;
	p0 =	por !p0, !p1;
	s4 =	sadd.s32 s4, s9  }
0xf: {  	p0 =	por !p0, !p0;
	s9 =	simm.s32 $0x1;
	s4 =	sshll.u32 s4, $0x10  }
0x10: {  	s0 =	sshrl.u32 s0, $0x5;
	s9 =	simm.s32 @!p0 $0x0;
	s4 =	sshra.s32 s4, $0x12  }
0x11: {  	[dreg:$0x5] =	wrdreg s1;
	s29 =	sadd.s32 $0x9EA400, s28;
	s4 =	ssub.s32 s4, s9  }
0x12: {  	s13 =	sadd.s32 $0x1, s8;
	s30 =	sshll.u32 s0, $0xA;
	p0 =	slt.s32 s4, $0x1  }
0x13: {  	s31 =	sshll.u32 s0, $0x8;
	s12 =	sadd.s32 $0x3, s0;
	s0 =	simm.s32 @!p0 $0x0  }
0x14: {  	s14 =	sadd.s32 $0x2, s8;
	s0 =	simm.s32 @p0 $0x1;
	p0 =	sle.u32 s2, s8  }
0x15: {  	s15 =	sadd.s32 $0x3, s8;
	[smem:$0x7F8] =	sst s0;
	s0 =	simm.s32 @!p0 $0x0  }
0x16: {  	[dreg:$0x6] =	wrdreg s29;
	s0 =	simm.s32 @p0 $0x1;
	p0 =	sge.u32 s13, s2  }
0x17: {  	s5 =	sadd.s32 s6, s24;
	[smem:$0x7F9] =	sst s0;
	s0 =	simm.s32 @!p0 $0x0  }
0x18: {  	s5 =	sadd.s32 $0x18600, s5;
	s0 =	simm.s32 @p0 $0x1;
	p0 =	sge.u32 s14, s2  }
0x19: {  	s9 =	sshrl.u32 s23, $0x3;
	[smem:$0x7FA] =	sst s0;
	s0 =	simm.s32 @!p0 $0x0  }
0x1a: {  	v0 =	vlaneseq.u32;
	s9 =	sadd.s32 s10, s9;
	s0 =	simm.s32 @p0 $0x1;
	p0 =	sge.u32 s15, s2  }
.Ltmp0:
0x1b: {  	v0 =	vmul.u32 $0x20, v0;
	[smem:$0x7FB] =	sst s0;
	s0 =	simm.s32 @!p0 $0x0;
	(pc) =	sbr.rel .LBB2_1-.Ltmp0, $4  }
0x1c: {  	s10 =	sadd.s32 s30, s10;
	s0 =	simm.s32 @p0 $0x1;
	p0 =	sgt.u32 s16, $0xC  }
0x1d: {  	v1 =	vor.u32 $0x200, v0;
	s26 =	sadd.s32 $0x61800, s9;
	[smem:$0x7FC] =	sst s0;
	s0 =	simm.s32 @!p0 $0x0  }
0x1e: {  	v2 =	vor.u32 $0x400, v0;
	v3 =	vor.u32 $0x600, v0;
	v4 =	vor.u32 $0x800, v0;
	s9 =	smax.u32 s11, $0x1;
	[dreg:$0x4] =	wrdreg s26;
	s0 =	simm.s32 @p0 $0x1  }
0x1f: {  	v5 =	vor.u32 $0xA00, v0;
	v6 =	vor.u32 $0xC00, v0;
	v7 =	vor.u32 $0xE00, v0;
	s11 =	sadd.s32 s31, s6;
	s16 =	simm.s32 $0x9;
	[smem:$0x7FD] =	sst s0  }
.LBB2_13:
0x20: {  	s19 =	sadd.s32 $0x1, s19  }
0x21: {  	p0 =	sne.s32 s19, s9  }
.Ltmp1:
0x22: {  	_ = 	snop;
	(pc) =	sbr.rel @!p0 .LBB2_14-.Ltmp1, $1  }
0x23: {  	_ =	sdelay $0x3  }
.LBB2_1:
0x24: {  	s0 =	sld [smem:$0x7F8];
	_ =	sdelay $0x2  }
0x25: {  	p0 =	seq.s32 s0, $0x1  }
.Ltmp2:
0x26: {  	_ = 	snop;
	(pc) =	sbr.rel @!p0 .LBB2_2-.Ltmp2, $4  }
.Ltmp3:
0x27: {  	_ = 	snop;
	(pc) =	sbr.rel @p0 .LBB2_9-.Ltmp3, $4  }
0x28: {  	_ = 	snop  }
0x29: {  	_ = 	snop  }
0x2a: {  	s20 =	smov.u32 s11;
	s21 =	smov.u32 s10;
	s22 =	simm.s32 $0x0  }
0x2b: {  	_ = 	snop  }
.LBB2_3:
.Ltmp4:
0x2c: {  	(pc) =	sbr.rel .LBB2_8-.Ltmp4, $2  }
0x2d: {  	_ =	sdelay $0x2  }
0x2e: {  	s23 =	smov.u32 s21;
	s24 =	smov.u32 s20;
	s26 =	smov.u32 s12  }
.LBB2_5:
.Ltmp5:
0x2f: {  	(pc) =	sbr.rel .LBB2_8-.Ltmp5, $2  }
0x30: {  	_ =	sdelay $0x2  }
0x31: {  	s29 =	smov.u32 s21;
	s28 =	simm.s32 $0x1;
	p4 =	por $0x1, $0x1  }
.LBB2_2:
0x32: {  	p0 =	sne.s32 s4, $0x1  }
.Ltmp6:
0x33: {  	_ = 	snop;
	(pc) =	sbr.rel @!p0 .LBB2_3-.Ltmp6, $3  }
0x34: {  	_ =	sdelay $0x1  }
0x35: {  	s28 =	simm.s32 $0x0;
	s25 =	simm.s32 $0x1  }
0x36: {  	p6 =	sge.u32 s12, s2;
	s15 =	sadd.s32 $0xFFFFFFFD, s12;
	p4 =	por $0x0, $0x0  }
0x37: {  	p1 =	sge.u32 s15, s2;
	s1 =	sadd.s32 $0xFFFFFFFE, s12;
	s26 =	sadd.s32 $0xFFFFFFFF, s12  }
0x38: {  	s23 =	sadd.s32 $0x1000, s21;
	s24 =	sadd.s32 $0x400, s20;
	s29 =	smov.u32 s21  }
0x39: {  	s0 =	sor.u32 @!p1 s22, s28;
	p0 =	sge.u32 s1, s2;
	s6 =	simm.s32 @!p1 $0x0  }
0x3a: {  	p5 =	sge.u32 s26, s2;
	s26 =	sadd.s32 $0x4, s12;
	p2 =	seq.s32 @!p1 s0, $0x0  }
0x3b: {  	s14 =	simm.s32 @!p1 $0x8000;
	s1 =	sor.u32 @!p0 s22, s28;
	p2 =	por p2, p1  }
0x3c: {  	s7 =	simm.s32 @!p0 $0x2000;
	s0 =	simm.s32 @!p1 $0x800;
	s8 =	simm.s32 @!p2 $0x5  }
0x3d: {  	s13 =	sor.u32 @!p5 s22, s28;
	p3 =	seq.s32 @!p0 s1, $0x0;
	_ =	swait.ge @!p2 [sflag:s8], $0x2000  }
0x3e: {  	s18 =	sadd.s32 @!p0 $0x400, s21;
	p3 =	por p3, p0;
	[sflag:s8] =	ssyncset.done @!p2 $0x0  }
0x3f: {  	s1 =	simm.s32 @!p1 $0xC3800;
	[sflag:s8] =	ssyncadd.s32 @!p2 $0xFFFFE000;
	s8 =	simm.s32 @!p3 $0x6  }
0x40: {  	[tilespmem:s6], [sflag:$0x1] =	stream.strided.gather @!p1 [hbm4b:s20+s0], $0x2000, s1, s0, $0x38;
	[tilespmem:$0x10400] =	vst v63  }
0x41: {  	p2 =	seq.s32 @!p5 s13, $0x0;
	s0 =	simm.s32 @!p0 $0xC3800;
	_ =	swait.ge @!p3 [sflag:s8], $0x2000  }
0x42: {  	s1 =	simm.s32 @!p0 $0x800;
	p2 =	por p2, p5;
	[sflag:s8] =	ssyncset.done @!p3 $0x0  }
0x43: {  	s13 =	simm.s32 @!p2 $0x7;
	[sflag:s8] =	ssyncadd.s32 @!p3 $0xFFFFE000;
	s8 =	sadd.s32 @!p0 $0x100, s20  }
0x44: {  	[tilespmem:s7], [sflag:$0x2] =	stream.strided.gather @!p0 [hbm4b:s8+s1], $0x2000, s0, s1, $0x38;
	[tilespmem:$0x10400] =	vst v63  }
0x45: {  	s0 =	sor.u32 @!p6 s22, s28;
	s1 =	simm.s32 @!p5 $0xC3800;
	_ =	swait.ge @!p2 [sflag:s13], $0x2000  }
0x46: {  	s7 =	simm.s32 @!p5 $0x4000;
	s8 =	sadd.s32 @!p5 $0x200, s20;
	[sflag:s13] =	ssyncset.done @!p2 $0x0  }
0x47: {  	[sflag:s13] =	ssyncadd.s32 @!p2 $0xFFFFE000;
	s13 =	simm.s32 @!p5 $0x800;
	p2 =	seq.s32 @!p6 s0, $0x0  }
0x48: {  	[tilespmem:s7], [sflag:$0x3] =	stream.strided.gather @!p5 [hbm4b:s8+s13], $0x2000, s1, s13, $0x38;
	[tilespmem:$0x10400] =	vst v63  }
0x49: {  	s15 =	sadd.s32 $0xFFFFFFFD, s26;
	p3 =	sne.s32 s4, $0x2;
	p4 =	por p2, p6  }
0x4a: {  	s28 =	simm.s32 $0x2;
	s13 =	simm.s32 @!p1 $0x1;
	s0 =	simm.s32 @!p4 $0x8  }
0x4b: {  	p2 =	por p6, p6;
	p6 =	sge.u32 s26, s2;
	_ =	swait.ge @!p4 [sflag:s0], $0x2000  }
0x4c: {  	s1 =	simm.s32 @!p2 $0x6000;
	s7 =	sadd.s32 @!p2 $0x300, s20;
	[sflag:s0] =	ssyncset.done @!p4 $0x0  }
0x4d: {  	s8 =	simm.s32 @!p2 $0x800;
	[sflag:s0] =	ssyncadd.s32 @!p4 $0xFFFFE000;
	s0 =	simm.s32 @!p2 $0xC3800  }
0x4e: {  	[tilespmem:s1], [sflag:$0x4] =	stream.strided.gather @!p2 [hbm4b:s7+s8], $0x2000, s0, s8, $0x38;
	[tilespmem:$0x10400] =	vst v63  }
0x4f: {  	s30 =	simm.s32 @!p2 $0xE000;
	s31 =	simm.s32 @!p2 $0x0;
	_ =	swait.ge @!p1 [sflag:s13], $0x2000  }
.Ltmp7:
0x50: {  	s0 =	simm.s32 @!p0 $0x2;
	[sflag:s13] =	ssyncset.done @!p1 $0x0;
	(pc) =	sbr.rel @!p3 .LBB2_5-.Ltmp7, $4  }
0x51: {  	s7 =	simm.s32 @!p0 $0xA000;
	s1 =	sadd.s32 @!p2 $0xC00, s21;
	[sflag:s13] =	ssyncadd.s32 @!p1 $0xFFFFE000  }
0x52: {  	[hbm4b:s21+s6] =	stream.linear.scatter @!p1 [tilespmem:s14], [sflag:$0x5], $0x2000, $0x38;
	[tilespmem:$0x10400] =	vst v63  }
0x53: {  	s8 =	simm.s32 @!p0 $0x0;
	s13 =	simm.s32 @!p5 $0xC000;
	_ =	swait.ge @!p0 [sflag:s0], $0x2000  }
0x54: {  	s6 =	simm.s32 @!p5 $0x3;
	s14 =	simm.s32 @!p2 $0x4;
	[sflag:s0] =	ssyncset.done @!p0 $0x0  }
.LBB2_6:
0x55: {  	p3 =	sge.u32 s15, s2;
	[sflag:s0] =	ssyncadd.s32 @!p0 $0xFFFFE000;
	s3 =	sadd.s32 @!p5 $0x800, s29  }
0x56: {  	s15 =	smov.u32 s28;
	s29 =	smov.u32 s23;
	s0 =	smov.u32 s24  }
0x57: {  	[hbm4b:s18+s8] =	stream.linear.scatter @!p0 [tilespmem:s7], [sflag:$0x6], $0x2000, $0x38;
	[tilespmem:$0x10400] =	vst v63  }
0x58: {  	s7 =	sor.u32 @!p3 s22, s25;
	s8 =	simm.s32 @!p5 $0x0;
	_ =	swait.ge @!p5 [sflag:s6], $0x2000  }
0x59: {  	p0 =	seq.s32 @!p3 s7, $0x0;
	s7 =	sadd.s32 $0xFFFFFFFF, s26;
	[sflag:s6] =	ssyncset.done @!p5 $0x0  }
0x5a: {  	s18 =	sadd.s32 $0xFFFFFFFE, s26;
	p4 =	por p0, p3;
	[sflag:s6] =	ssyncadd.s32 @!p5 $0xFFFFE000  }
0x5b: {  	[hbm4b:s3+s8] =	stream.linear.scatter @!p5 [tilespmem:s13], [sflag:$0x7], $0x2000, $0x38;
	[tilespmem:$0x10400] =	vst v63  }
0x5c: {  	p0 =	sge.u32 s18, s2;
	s13 =	simm.s32 @!p3 $0x0;
	_ =	swait.ge @!p2 [sflag:s14], $0x2000  }
0x5d: {  	s6 =	simm.s32 @!p0 $0x2000;
	s3 =	sor.u32 @!p0 s22, s25;
	[sflag:s14] =	ssyncset.done @!p2 $0x0  }
0x5e: {  	s8 =	simm.s32 @!p4 $0x5;
	p1 =	seq.s32 @!p0 s3, $0x0;
	[sflag:s14] =	ssyncadd.s32 @!p2 $0xFFFFE000  }
0x5f: {  	[hbm4b:s1+s31] =	stream.linear.scatter @!p2 [tilespmem:s30], [sflag:$0x8], $0x2000, $0x38;
	[tilespmem:$0x10400] =	vst v63  }
0x60: {  	p5 =	sge.u32 s7, s2;
	s1 =	simm.s32 @!p3 $0xC3800;
	_ =	swait.ge @!p4 [sflag:s8], $0x2000  }
0x61: {  	s3 =	simm.s32 @!p3 $0x800;
	p2 =	por p1, p0;
	[sflag:s8] =	ssyncset.done @!p4 $0x0  }
0x62: {  	s7 =	simm.s32 @!p2 $0x6;
	[sflag:s8] =	ssyncadd.s32 @!p4 $0xFFFFE000;
	s8 =	sor.u32 @!p5 s22, s25  }
0x63: {  	[tilespmem:s13], [sflag:$0x1] =	stream.strided.gather @!p3 [hbm4b:s24+s3], $0x2000, s1, s3, $0x38;
	[tilespmem:$0x10400] =	vst v63  }
0x64: {  	s1 =	simm.s32 @!p0 $0xC3800;
	p1 =	seq.s32 @!p5 s8, $0x0;
	_ =	swait.ge @!p2 [sflag:s7], $0x2000  }
0x65: {  	s3 =	simm.s32 @!p0 $0x800;
	p1 =	por p1, p5;
	[sflag:s7] =	ssyncset.done @!p2 $0x0  }
0x66: {  	s8 =	simm.s32 @!p1 $0x7;
	[sflag:s7] =	ssyncadd.s32 @!p2 $0xFFFFE000;
	s7 =	sadd.s32 @!p0 $0x100, s24  }
0x67: {  	[tilespmem:s6], [sflag:$0x2] =	stream.strided.gather @!p0 [hbm4b:s7+s3], $0x2000, s1, s3, $0x38;
	[tilespmem:$0x10400] =	vst v63  }
0x68: {  	s28 =	sadd.s32 $0x1, s28;
	s1 =	sor.u32 @!p6 s22, s25;
	_ =	swait.ge @!p1 [sflag:s8], $0x2000  }
0x69: {  	s3 =	simm.s32 @!p5 $0xC3800;
	s6 =	simm.s32 @!p5 $0x4000;
	[sflag:s8] =	ssyncset.done @!p1 $0x0  }
0x6a: {  	s7 =	sadd.s32 @!p5 $0x200, s24;
	[sflag:s8] =	ssyncadd.s32 @!p1 $0xFFFFE000;
	s8 =	simm.s32 @!p5 $0x800  }
0x6b: {  	[tilespmem:s6], [sflag:$0x3] =	stream.strided.gather @!p5 [hbm4b:s7+s8], $0x2000, s3, s8, $0x38;
	[tilespmem:$0x10400] =	vst v63  }
0x6c: {  	p4 =	sne.s32 s4, s28;
	s25 =	smov.u32 s15;
	p1 =	seq.s32 @!p6 s1, $0x0  }
0x6d: {  	p2 =	por p6, p6;
	p1 =	por p1, p6;
	s3 =	simm.s32 @!p3 $0x1  }
0x6e: {  	s23 =	sadd.s32 $0x1000, s23;
	s24 =	sadd.s32 $0x400, s24;
	s1 =	simm.s32 @!p1 $0x8  }
0x6f: {  	s26 =	sadd.s32 $0x4, s26;
	s30 =	simm.s32 @!p2 $0xE000;
	_ =	swait.ge @!p1 [sflag:s1], $0x2000  }
0x70: {  	s31 =	simm.s32 @!p2 $0x0;
	s6 =	simm.s32 @!p2 $0x6000;
	[sflag:s1] =	ssyncset.done @!p1 $0x0  }
0x71: {  	s14 =	simm.s32 @!p3 $0x8000;
	[sflag:s1] =	ssyncadd.s32 @!p1 $0xFFFFE000;
	s1 =	simm.s32 @!p2 $0xC3800  }
0x72: {  	s7 =	sadd.s32 @!p2 $0x300, s0;
	s8 =	simm.s32 @!p2 $0x800;
	s0 =	simm.s32 @!p0 $0x2  }
0x73: {  	[tilespmem:s6], [sflag:$0x4] =	stream.strided.gather @!p2 [hbm4b:s7+s8], $0x2000, s1, s8, $0x38;
	[tilespmem:$0x10400] =	vst v63  }
0x74: {  	s7 =	simm.s32 @!p0 $0xA000;
	s1 =	sadd.s32 @!p2 $0xC00, s29;
	_ =	swait.ge @!p3 [sflag:s3], $0x2000  }
.Ltmp8:
0x75: {  	s8 =	simm.s32 @!p0 $0x0;
	[sflag:s3] =	ssyncset.done @!p3 $0x0;
	(pc) =	sbr.rel @p4 .LBB2_6-.Ltmp8, $4  }
0x76: {  	s18 =	sadd.s32 @!p0 $0x400, s29;
	s6 =	simm.s32 @!p5 $0x3;
	[sflag:s3] =	ssyncadd.s32 @!p3 $0xFFFFE000  }
0x77: {  	[hbm4b:s29+s13] =	stream.linear.scatter @!p3 [tilespmem:s14], [sflag:$0x5], $0x2000, $0x38;
	[tilespmem:$0x10400] =	vst v63  }
0x78: {  	p6 =	sge.u32 s26, s2;
	s14 =	simm.s32 @!p2 $0x4;
	_ =	swait.ge @!p0 [sflag:s0], $0x2000  }
0x79: {  	s15 =	sadd.s32 $0xFFFFFFFD, s26;
	s13 =	simm.s32 @!p5 $0xC000;
	[sflag:s0] =	ssyncset.done @!p0 $0x0  }
0x7a: {  	s28 =	smov.u32 s25;
	p4 =	por $0x1, $0x1  }
.LBB2_8:
0x7b: {  	p0 =	por p0, !p4  }
0x7c: {  	p1 =	por p5, !p4;
	[sflag:s0] =	ssyncadd.s32 @!p0 $0xFFFFE000  }
0x7d: {  	[hbm4b:s18+s8] =	stream.linear.scatter @!p0 [tilespmem:s7], [sflag:$0x6], $0x2000, $0x38;
	[tilespmem:$0x10400] =	vst v63  }
0x7e: {  	s25 =	sadd.s32 $0xFFFFFFFF, s26;
	p2 =	por p2, !p4;
	p0 =	sge.u32 s15, s2  }
0x7f: {  	s0 =	sadd.s32 @!p1 $0x800, s29;
	_ =	swait.ge @!p1 [sflag:s6], $0x2000;
	s3 =	sor.u32 @!p0 s22, s28  }
0x80: {  	s29 =	sadd.s32 $0xFFFFFFFE, s26;
	[sflag:s6] =	ssyncset.done @!p1 $0x0;
	p3 =	seq.s32 @!p0 s3, $0x0  }
0x81: {  	s7 =	simm.s32 @!p1 $0x0;
	[sflag:s6] =	ssyncadd.s32 @!p1 $0xFFFFE000;
	p3 =	por p3, p0  }
0x82: {  	[hbm4b:s0+s7] =	stream.linear.scatter @!p1 [tilespmem:s13], [sflag:$0x7], $0x2000, $0x38;
	[tilespmem:$0x10400] =	vst v63  }
0x83: {  	s6 =	simm.s32 @!p0 $0x0;
	p1 =	sge.u32 s29, s2;
	_ =	swait.ge @!p2 [sflag:s14], $0x2000  }
0x84: {  	s8 =	simm.s32 @!p3 $0x5;
	s0 =	sor.u32 @!p1 s22, s28;
	[sflag:s14] =	ssyncset.done @!p2 $0x0  }
0x85: {  	s7 =	simm.s32 @!p1 $0x2000;
	p4 =	seq.s32 @!p1 s0, $0x0;
	[sflag:s14] =	ssyncadd.s32 @!p2 $0xFFFFE000  }
0x86: {  	[hbm4b:s1+s31] =	stream.linear.scatter @!p2 [tilespmem:s30], [sflag:$0x8], $0x2000, $0x38;
	[tilespmem:$0x10400] =	vst v63  }
0x87: {  	s0 =	simm.s32 @!p0 $0xC3800;
	p4 =	por p4, p1;
	_ =	swait.ge @!p3 [sflag:s8], $0x2000  }
0x88: {  	p2 =	sge.u32 s25, s2;
	s1 =	simm.s32 @!p0 $0x800;
	[sflag:s8] =	ssyncset.done @!p3 $0x0  }
0x89: {  	s3 =	simm.s32 @!p4 $0x6;
	[sflag:s8] =	ssyncadd.s32 @!p3 $0xFFFFE000;
	s8 =	sor.u32 @!p2 s22, s28  }
0x8a: {  	[tilespmem:s6], [sflag:$0x1] =	stream.strided.gather @!p0 [hbm4b:s24+s1], $0x2000, s0, s1, $0x38;
	[tilespmem:$0x10400] =	vst v63  }
0x8b: {  	s0 =	simm.s32 @!p1 $0xC3800;
	p3 =	seq.s32 @!p2 s8, $0x0;
	_ =	swait.ge @!p4 [sflag:s3], $0x2000  }
0x8c: {  	s1 =	simm.s32 @!p1 $0x800;
	p3 =	por p3, p2;
	[sflag:s3] =	ssyncset.done @!p4 $0x0  }
0x8d: {  	s8 =	simm.s32 @!p3 $0x7;
	[sflag:s3] =	ssyncadd.s32 @!p4 $0xFFFFE000;
	s3 =	sadd.s32 @!p1 $0x100, s24  }
0x8e: {  	[tilespmem:s7], [sflag:$0x2] =	stream.strided.gather @!p1 [hbm4b:s3+s1], $0x2000, s0, s1, $0x38;
	[tilespmem:$0x10400] =	vst v63  }
0x8f: {  	s0 =	sor.u32 @!p6 s22, s28;
	s1 =	simm.s32 @!p2 $0xC3800;
	_ =	swait.ge @!p3 [sflag:s8], $0x2000  }
0x90: {  	s3 =	simm.s32 @!p2 $0x4000;
	s7 =	sadd.s32 @!p2 $0x200, s24;
	[sflag:s8] =	ssyncset.done @!p3 $0x0  }
0x91: {  	[sflag:s8] =	ssyncadd.s32 @!p3 $0xFFFFE000;
	s8 =	simm.s32 @!p2 $0x800;
	p3 =	seq.s32 @!p6 s0, $0x0  }
0x92: {  	[tilespmem:s3], [sflag:$0x3] =	stream.strided.gather @!p2 [hbm4b:s7+s8], $0x2000, s1, s8, $0x38;
	[tilespmem:$0x10400] =	vst v63  }
0x93: {  	p4 =	por p3, p6  }
0x94: {  	s0 =	simm.s32 @!p4 $0x8  }
0x95: {  	p3 =	por p6, p6;
	s1 =	simm.s32 @!p0 $0x1;
	_ =	swait.ge @!p4 [sflag:s0], $0x2000  }
0x96: {  	s3 =	simm.s32 @!p3 $0x6000;
	s7 =	sadd.s32 @!p3 $0x300, s24;
	[sflag:s0] =	ssyncset.done @!p4 $0x0  }
0x97: {  	s8 =	simm.s32 @!p3 $0x800;
	[sflag:s0] =	ssyncadd.s32 @!p4 $0xFFFFE000;
	s0 =	simm.s32 @!p3 $0xC3800  }
0x98: {  	[tilespmem:s3], [sflag:$0x4] =	stream.strided.gather @!p3 [hbm4b:s7+s8], $0x2000, s0, s8, $0x38;
	[tilespmem:$0x10400] =	vst v63  }
0x99: {  	_ =	swait.ge @!p0 [sflag:s1], $0x2000  }
0x9a: {  	[sflag:s1] =	ssyncset.done @!p0 $0x0  }
0x9b: {  	s0 =	simm.s32 @!p0 $0x8000;
	s3 =	simm.s32 @!p1 $0x2;
	[sflag:s1] =	ssyncadd.s32 @!p0 $0xFFFFE000  }
0x9c: {  	[hbm4b:s23+s6] =	stream.linear.scatter @!p0 [tilespmem:s0], [sflag:$0x5], $0x2000, $0x38;
	[tilespmem:$0x10400] =	vst v63  }
0x9d: {  	_ =	swait.ge @!p1 [sflag:s3], $0x2000  }
0x9e: {  	s7 =	simm.s32 @!p2 $0x3;
	s1 =	simm.s32 @!p1 $0x0;
	[sflag:s3] =	ssyncset.done @!p1 $0x0  }
0x9f: {  	s0 =	simm.s32 @!p1 $0xA000;
	s6 =	sadd.s32 @!p1 $0x400, s23;
	[sflag:s3] =	ssyncadd.s32 @!p1 $0xFFFFE000  }
0xa0: {  	[hbm4b:s6+s1] =	stream.linear.scatter @!p1 [tilespmem:s0], [sflag:$0x6], $0x2000, $0x38;
	[tilespmem:$0x10400] =	vst v63  }
0xa1: {  	s22 =	sadd.s32 $0x1, s22;
	_ =	swait.ge @!p2 [sflag:s7], $0x2000  }
0xa2: {  	p0 =	sne.s32 s22, $0x1A;
	s3 =	sadd.s32 @!p2 $0x800, s23;
	[sflag:s7] =	ssyncset.done @!p2 $0x0  }
0xa3: {  	s1 =	simm.s32 @!p2 $0xC000;
	s6 =	simm.s32 @!p2 $0x0;
	[sflag:s7] =	ssyncadd.s32 @!p2 $0xFFFFE000  }
0xa4: {  	[hbm4b:s3+s6] =	stream.linear.scatter @!p2 [tilespmem:s1], [sflag:$0x7], $0x2000, $0x38;
	[tilespmem:$0x10400] =	vst v63  }
.Ltmp9:
0xa5: {  	s0 =	simm.s32 @!p3 $0x4;
	(pc) =	sbr.rel @p0 .LBB2_2-.Ltmp9, $4  }
0xa6: {  	s21 =	sadd.s32 $0x61A00, s21;
	_ =	swait.ge @!p3 [sflag:s0], $0x2000  }
0xa7: {  	s20 =	sadd.s32 $0x61C00, s20;
	s1 =	simm.s32 @!p3 $0xE000;
	[sflag:s0] =	ssyncset.done @!p3 $0x0  }
0xa8: {  	s3 =	simm.s32 @!p3 $0x0;
	s6 =	sadd.s32 @!p3 $0xC00, s23;
	[sflag:s0] =	ssyncadd.s32 @!p3 $0xFFFFE000  }
0xa9: {  	[hbm4b:s6+s3] =	stream.linear.scatter @!p3 [tilespmem:s1], [sflag:$0x8], $0x2000, $0x38;
	[tilespmem:$0x10400] =	vst v63  }
.LBB2_9:
0xaa: {  	s0 =	sld [smem:$0x7F9];
	_ =	sdelay $0x2  }
0xab: {  	p0 =	seq.s32 s0, $0x1  }
0xac: {  	s0 =	simm.s32 @!p0 $0x5  }
0xad: {  	_ =	swait.ge @!p0 [sflag:s0], $0x2000  }
0xae: {  	s28 =	sld [smem:$0x7FA];
	_ =	sdelay $0x1  }
0xaf: {  	[sflag:s0] =	ssyncset.done @!p0 $0x0  }
0xb0: {  	[sflag:s0] =	ssyncadd.s32 @!p0 $0xFFFFE000;
	p0 =	seq.s32 s28, $0x1  }
0xb1: {  	s0 =	simm.s32 @!p0 $0x6  }
0xb2: {  	_ =	swait.ge @!p0 [sflag:s0], $0x2000  }
0xb3: {  	s29 =	sld [smem:$0x7FB];
	_ =	sdelay $0x1  }
0xb4: {  	[sflag:s0] =	ssyncset.done @!p0 $0x0  }
0xb5: {  	[sflag:s0] =	ssyncadd.s32 @!p0 $0xFFFFE000;
	p0 =	seq.s32 s29, $0x1  }
0xb6: {  	s0 =	simm.s32 @!p0 $0x7  }
0xb7: {  	_ =	swait.ge @!p0 [sflag:s0], $0x2000  }
0xb8: {  	s30 =	sld [smem:$0x7FC];
	_ =	sdelay $0x1  }
0xb9: {  	[sflag:s0] =	ssyncset.done @!p0 $0x0  }
0xba: {  	[sflag:s0] =	ssyncadd.s32 @!p0 $0xFFFFE000;
	p0 =	seq.s32 s30, $0x1  }
0xbb: {  	s0 =	simm.s32 @!p0 $0x8  }
0xbc: {  	_ =	swait.ge @!p0 [sflag:s0], $0x2000  }
0xbd: {  	s31 =	sld [smem:$0x7FD];
	_ =	sdelay $0x1  }
0xbe: {  	[sflag:s0] =	ssyncset.done @!p0 $0x0  }
0xbf: {  	[sflag:s0] =	ssyncadd.s32 @!p0 $0xFFFFE000;
	p0 =	seq.s32 s31, $0x1  }
.Ltmp10:
0xc0: {  	_ = 	snop;
	(pc) =	sbr.rel @p0 .LBB2_13-.Ltmp10, $1  }
0xc1: {  	_ =	sdelay $0x3  }
0xc2: {  	s0 =	simm.s32 $0x0  }
0xc3: {  	[tilespmem:s0], [sflag:$0x9] =	stream.linear.gather [hbm4b:s5+s0], $0x400, $0x38;
	[tilespmem:$0x10400] =	vst v63  }
0xc4: {  	s1 =	sadd.s32 $0x18700, s5;
	s3 =	simm.s32 $0x800  }
0xc5: {  	[tilespmem:s3], [sflag:$0x9] =	stream.linear.gather [hbm4b:s1+s0], $0x400, $0x38;
	[tilespmem:$0x10400] =	vst v63  }
0xc6: {  	s25 =	sadd.s32 $0x30E00, s5;
	s26 =	simm.s32 $0x1000  }
0xc7: {  	[tilespmem:s26], [sflag:$0x9] =	stream.linear.gather [hbm4b:s25+s0], $0x400, $0x38;
	[tilespmem:$0x10400] =	vst v63  }
0xc8: {  	s28 =	sadd.s32 $0x49500, s5;
	s29 =	simm.s32 $0x1800  }
0xc9: {  	[tilespmem:s29], [sflag:$0x9] =	stream.linear.gather [hbm4b:s28+s0], $0x400, $0x38;
	[tilespmem:$0x10400] =	vst v63  }
0xca: {  	_ =	swait.ge [sflag:s16], $0x1000  }
0xcb: {  	s30 =	sand.u32 $0x1800, s0;
	s31 =	sand.u32 $0x380, s0;
	[sflag:s16] =	ssyncset.done $0x0  }
0xcc: {  	s1 =	sor.u32 s31, s30;
	[sflag:s16] =	ssyncadd.s32 $0xFFFFF000  }
0xcd: {  	v16 =	vld [tilespmem:s1+$0x30]  }
0xce: {  	v12 =	vld [tilespmem:s1+$0x20]  }
0xcf: {  	v14 =	vor.u32 s0, v0;
	v15 =	vld [tilespmem:s1+$0x0]  }
0xd0: {  	v17 =	vor.u32 s0, v1;
	v13 =	vld [tilespmem:s1+$0x10]  }
0xd1: {  	v18 =	vor.u32 s0, v2;
	v9 =	vld [tilespmem:s1+$0x40]  }
0xd2: {  	v10 =	vld [tilespmem:s1+$0x50]  }
0xd3: {  	v19 =	vor.u32 s0, v3;
	v8 =	vld [tilespmem:s1+$0x70]  }
0xd4: {  	v11 =	vld [tilespmem:s1+$0x60];
	[tilespmem:v14+s17+$0x0] =	vst.idx.msk $0xffff, v15;
	v14 =	vor.u32 s0, v4  }
0xd5: {  	v15 =	vor.u32 s0, v5;
	[tilespmem:v17+s17+$0x0] =	vst.idx.msk $0xffff, v13  }
0xd6: {  	[tilespmem:v18+s17+$0x0] =	vst.idx.msk $0xffff, v12;
	v12 =	vor.u32 s0, v6  }
0xd7: {  	v13 =	vor.u32 s0, v7  }
0xd8: {  	s6 =	simm.s32 $0x0;
	s1 =	simm.s32 $0x1;
	[tilespmem:v19+s17+$0x0] =	vst.idx.msk $0xffff, v16  }
.LBB2_11:
0xd9: {  	p0 =	sne.s32 s1, $0x1F;
	[tilespmem:v14+s17+$0x0] =	vst.idx.msk $0xffff, v9;
	s0 =	sadd.s32 $0x80, s0;
	s6 =	sadd.s32 $0x100, s6  }
0xda: {  	s3 =	smov.u32 s1;
	s1 =	sadd.s32 $0x1, s1;
	[tilespmem:v15+s17+$0x0] =	vst.idx.msk $0xffff, v10  }
0xdb: {  	s7 =	sand.u32 $0x1800, s6;
	s8 =	sand.u32 $0x380, s0;
	[tilespmem:v12+s17+$0x0] =	vst.idx.msk $0xffff, v11  }
0xdc: {  	s7 =	sor.u32 s8, s7;
	[tilespmem:v13+s17+$0x0] =	vst.idx.msk $0xffff, v8  }
0xdd: {  	v12 =	vor.u32 s3, v0;
	v16 =	vld [tilespmem:s7+$0x30]  }
0xde: {  	v17 =	vld [tilespmem:s7+$0x20]  }
0xdf: {  	v13 =	vld [tilespmem:s7+$0x10]  }
0xe0: {  	v19 =	vor.u32 s3, v1;
	v18 =	vld [tilespmem:s7+$0x0]  }
0xe1: {  	v20 =	vor.u32 s3, v2;
	v9 =	vld [tilespmem:s7+$0x40]  }
0xe2: {  	v21 =	vor.u32 s3, v3;
	v10 =	vld [tilespmem:s7+$0x50]  }
0xe3: {  	v14 =	vor.u32 s3, v4;
	v8 =	vld [tilespmem:s7+$0x70]  }
.Ltmp11:
0xe4: {  	v15 =	vor.u32 s3, v5;
	v11 =	vld [tilespmem:s7+$0x60];
	(pc) =	sbr.rel @p0 .LBB2_11-.Ltmp11, $4  }
0xe5: {  	[tilespmem:v12+s17+$0x0] =	vst.idx.msk $0xffff, v18;
	v12 =	vor.u32 s3, v6  }
0xe6: {  	[tilespmem:v19+s17+$0x0] =	vst.idx.msk $0xffff, v13;
	v13 =	vor.u32 s3, v7  }
0xe7: {  	[tilespmem:v20+s17+$0x0] =	vst.idx.msk $0xffff, v17  }
0xe8: {  	[tilespmem:v21+s17+$0x0] =	vst.idx.msk $0xffff, v16  }
0xe9: {  	_ =	sdelay $0x3  }
0xea: {  	[tilespmem:v14+s17+$0x0] =	vst.idx.msk $0xffff, v9  }
0xeb: {  	[tilespmem:v15+s17+$0x0] =	vst.idx.msk $0xffff, v10  }
0xec: {  	[tilespmem:v12+s17+$0x0] =	vst.idx.msk $0xffff, v11  }
0xed: {  	s0 =	simm.s32 $0x0;
	s1 =	rddreg [dreg:$0x4];
	[tilespmem:v13+s17+$0x0] =	vst.idx.msk $0xffff, v8  }
0xee: {  	[hbm4b:s1+s0] =	stream.linear.scatter [tilespmem:s17], [sflag:$0x9], $0x1000, $0x38;
	[tilespmem:$0x10400] =	vst v63  }
0xef: {  	_ =	swait.ge [sflag:s16], $0x1000  }
0xf0: {  	[sflag:s16] =	ssyncset.done $0x0  }
0xf1: {  	s3 =	simm.s32 $0x10000;
	s30 =	rddreg [dreg:$0x5];
	[sflag:s16] =	ssyncadd.s32 $0xFFFFF000  }
0xf2: {  	[tilespmem:s3], [sflag:$0x9] =	stream.linear.gather [hbm4b:s30+s0], $0x400, $0x38;
	[tilespmem:$0x10400] =	vst v63  }
0xf3: {  	_ =	swait.ge [sflag:s16], $0x400  }
0xf4: {  	[sflag:s16] =	ssyncset.done $0x0  }
.Ltmp12:
0xf5: {  	s31 =	rddreg [dreg:$0x6];
	[sflag:s16] =	ssyncadd.s32 $0xFFFFFC00;
	(pc) =	sbr.rel .LBB2_13-.Ltmp12, $4  }
0xf6: {  	[hbm4b:s31+s0] =	stream.linear.scatter [tilespmem:s3], [sflag:$0x9], $0x400, $0x38;
	[tilespmem:$0x10400] =	vst v63  }
0xf7: {  	_ =	swait.ge [sflag:s16], $0x400  }
0xf8: {  	[sflag:s16] =	ssyncset.done $0x0  }
0xf9: {  	[sflag:s16] =	ssyncadd.s32 $0xFFFFFC00  }
.LBB2_14:
0xfa: {  	_ =	sfence.sel $0x180000  }
0xfb: {  	[bflag:$0x0] =	sbarrier.arrive $0xFFFF  }
0xfc: {  	_ =	strace $0x90000047  }
0xfd: {  	s0 =	stileid.u32;
	[bflag:$0x2] =	sbarrier.arrive $0xFFFF  }
0xfe: {  	p0 =	sne.s32 s0, $0x0;
	s0 =	rddreg [dreg:$0x3]  }
0xff: {  	s0 =	sadd.s32 @!p0 $0x100000, s0  }
0x100: {  	[sflag:s0] =	ssyncadd.tile.s32 @!p0 $0x1;
	_ =	shalt  }
.Lfunc_end2:
_tile_overlayer_lowered:
.L_overlay_start_2:
0x101: {  	(tag) =	ssettag $0x2  }
0x102: {  	s0 =	rddreg [dreg:$0x0];
	s2 =	stileid.u32  }
0x103: {  	s1 =	rddreg [dreg:$0x1];
	p0 =	sne.s32 s2, $0x0  }
0x104: {  	s3 =	rddreg [dreg:$0x2];
	[bflag:$0x3] =	sbarrier.arrive $0xFFFF;
	s2 =	simm.s32 @!p0 $0x1C09  }
0x105: {  	[timem:s3], [sflag:s2] =	dma.local @!p0 [hbm:s0], s1  }
0x106: {  	s0 =	simm.s32 @!p0 $0x9  }
0x107: {  	_ =	swait.ge @!p0 [sflag:s0], s1  }
0x108: {  	s1 =	ssub.s32 @!p0 $0x0, s1;
	[sflag:s0] =	ssyncset.done @!p0 $0x0  }
0x109: {  	[sflag:s0] =	ssyncadd.s32 @!p0 s1  }
0x10a: {  	[bflag:$0x3] =	sbarrier.arrive $0xFFFF  }
0x10b: {  	_ =	shalt  }

// kernel: kernel.7.cloned.1.call-start
scs
__scs_entry_jumppad:
0x0: {  	(pc) =	sbr.rel $0x88, $3  }
0x1: {  	(tag) =	ssettag $0x0;
	lr =	simm.s32 $0x1  }
0x2: {  	[smem:$0x3F9F] =	sst lr;
	_ =	strace $0xD0000000  }
0x3: {  	_ = 	snop  }
0x4: {  	_ = 	snop  }
0x5: {  	_ = 	snop  }
0x6: {  	_ = 	snop  }
0x7: {  	_ = 	snop  }
__scs_overlays_trampoline_lowered:
0x8: {  	[smem:$0x3FAE] =	sst s0  }
0x9: {  	[smem:$0x3FAF] =	sst s1  }
0xa: {  	[smem:$0x3FB0] =	sst s2  }
0xb: {  	[smem:$0x3FB1] =	sst s3  }
0xc: {  	[smem:$0x3FB2] =	sst s4  }
0xd: {  	[smem:$0x3FB3] =	sst s5  }
0xe: {  	[smem:$0x3FB4] =	sst s6  }
0xf: {  	[smem:$0x3FB5] =	sst s7  }
0x10: {  	[smem:$0x3FB6] =	sst s8  }
0x11: {  	[smem:$0x3FB7] =	sst s9;
	s0 =	simm.s32 @!p0 $0x0  }
0x12: {  	s1 =	sld [smem:$0x3F9D];
	s0 =	simm.s32 @p0 $0x1  }
0x13: {  	[smem:$0x3FB8] =	sst s0;
	s0 =	simm.s32 @!p1 $0x0  }
0x14: {  	s2 =	sld [smem:$0x3F9C];
	s0 =	simm.s32 @p1 $0x1  }
0x15: {  	[smem:$0x3FB9] =	sst s0;
	s0 =	simm.s32 @!p2 $0x0  }
0x16: {  	s3 =	sld [smem:$0x3FDB];
	s0 =	simm.s32 @p2 $0x1  }
0x17: {  	s4 =	simm.s32 $0x1BF5;
	[smem:$0x3FBB] =	sst s0  }
0x18: {  	s0 =	sld [smem:$0x3F9E];
	_ =	swait.ge [sflag:s4], $0x0  }
0x19: {  	s7 =	sld [smem:$0x3F9F]  }
0x1a: {  	s8 =	sadd.s32 $0xFFFFE003, lr  }
0x1b: {  	s9 =	sadd.s32 $0xFFFFFEF7, lr;
	s5 =	simm.s32 $0xFFFFFFFF;
	p2 =	slt.u32 s8, $0xFFFFF086  }
0x1c: {  	p1 =	slt.u32 s9, $0xF7A;
	s5 =	simm.s32 @!p2 $0x0  }
0x1d: {  	s5 =	simm.s32 @p1 $0x1;
	p0 =	seq.s32 s7, s2  }
0x1e: {  	s7 =	smul.u32 @!p0 $0xF7A, s2;
	p2 =	seq.s32 @!p0 s5, $0x0  }
0x1f: {  	s9 =	smul.u32 $0xF7A, s1;
	s8 =	simm.s32 @!p0 $0x1BF5;
	p2 =	por !p2, p0  }
0x20: {  	[sflag:s8] =	ssyncset.s32 @!p0 $0xFFFFF086;
	s6 =	sadd.s32 @!p0 s3, s7;
	s7 =	simm.s32 @!p0 $0x108  }
0x21: {  	s3 =	sadd.s32 s3, s9;
	s6 =	sadd.s32 @!p0 $0x88, s6;
	s7 =	simm.s32 @p2 $0x1082  }
0x22: {  	[simem:s7], [sflag:s8] =	dma.local @!p0 [hbm:s6], $0xF7A  }
0x23: {  	s9 =	sor.u32 $0xD0000000, s2;
	s6 =	simm.s32 $0x108;
	_ =	swait.ge @!p0 [sflag:s8], $0x0  }
0x24: {  	s3 =	sadd.s32 $0x88, s3;
	s6 =	simm.s32 @!p1 $0x1082;
	[sflag:s4] =	ssyncset.s32 $0xFFFFF086  }
0x25: {  	[simem:s6], [sflag:s4] =	dma.local [hbm:s3], $0xF7A  }
0x26: {  	[smem:$0x3F9F] =	sst s1;
	(tag) =	ssettag s2;
	_ =	strace s9  }
0x27: {  	s1 =	sld [smem:$0x3FAF]  }
0x28: {  	s2 =	sld [smem:$0x3FB0]  }
0x29: {  	s4 =	sld [smem:$0x3FB2]  }
0x2a: {  	p0 =	seq.s32 s5, $0x0;
	s5 =	sld [smem:$0x3FB3]  }
0x2b: {  	s6 =	sld [smem:$0x3FB4]  }
0x2c: {  	s7 =	sld [smem:$0x3FB5]  }
0x2d: {  	s3 =	simm.s32 $0x108;
	s8 =	sld [smem:$0x3FB6]  }
0x2e: {  	s3 =	simm.s32 @!p0 $0x1082;
	s9 =	sld [smem:$0x3FB7]  }
0x2f: {  	lr =	sadd.s32 s0, s3;
	s0 =	sld [smem:$0x3FAE]  }
0x30: {  	s3 =	sld [smem:$0x3FB1]  }
0x31: {  	[smem:$0x3FBA] =	sst s10  }
0x32: {  	s10 =	sld [smem:$0x3FB8];
	_ =	sdelay $0x3  }
0x33: {  	p0 =	seq.s32 s10, $0x1;
	s10 =	sld [smem:$0x3FBA];
	_ =	sdelay $0x3  }
0x34: {  	[smem:$0x3FBA] =	sst s10  }
0x35: {  	s10 =	sld [smem:$0x3FB9];
	_ =	sdelay $0x3  }
0x36: {  	p1 =	seq.s32 s10, $0x1;
	s10 =	sld [smem:$0x3FBA];
	_ =	sdelay $0x3  }
0x37: {  	[smem:$0x3FBA] =	sst s10  }
0x38: {  	s10 =	sld [smem:$0x3FBB]  }
0x39: {  	_ = 	snop;
	(pc) =	sbr.ind lr, $3  }
0x3a: {  	_ = 	snop  }
0x3b: {  	_ = 	snop  }
0x3c: {  	p2 =	seq.s32 s10, $0x1;
	s10 =	sld [smem:$0x3FBA]  }
0x3d: {  	_ =	shalt  }
0x3e: {  	_ =	shalt  }
0x3f: {  	_ =	shalt  }
0x40: {  	_ =	shalt  }
0x41: {  	_ =	shalt  }
0x42: {  	_ =	shalt  }
0x43: {  	_ =	shalt  }
0x44: {  	_ =	shalt  }
0x45: {  	_ =	shalt  }
0x46: {  	_ =	shalt  }
0x47: {  	_ =	shalt  }
0x48: {  	_ =	shalt  }
0x49: {  	_ =	shalt  }
0x4a: {  	_ =	shalt  }
0x4b: {  	_ =	shalt  }
0x4c: {  	_ =	shalt  }
0x4d: {  	_ =	shalt  }
0x4e: {  	_ =	shalt  }
0x4f: {  	_ =	shalt  }
0x50: {  	_ =	shalt  }
0x51: {  	_ =	shalt  }
0x52: {  	_ =	shalt  }
0x53: {  	_ =	shalt  }
0x54: {  	_ =	shalt  }
0x55: {  	_ =	shalt  }
0x56: {  	_ =	shalt  }
0x57: {  	_ =	shalt  }
0x58: {  	_ =	shalt  }
0x59: {  	_ =	shalt  }
0x5a: {  	_ =	shalt  }
0x5b: {  	_ =	shalt  }
0x5c: {  	_ =	shalt  }
0x5d: {  	_ =	shalt  }
0x5e: {  	_ =	shalt  }
0x5f: {  	_ =	shalt  }
0x60: {  	_ =	shalt  }
0x61: {  	_ =	shalt  }
0x62: {  	_ =	shalt  }
0x63: {  	_ =	shalt  }
0x64: {  	_ =	shalt  }
0x65: {  	_ =	shalt  }
0x66: {  	_ =	shalt  }
0x67: {  	_ =	shalt  }
0x68: {  	_ =	shalt  }
0x69: {  	_ =	shalt  }
0x6a: {  	_ =	shalt  }
0x6b: {  	_ =	shalt  }
0x6c: {  	_ =	shalt  }
0x6d: {  	_ =	shalt  }
0x6e: {  	_ =	shalt  }
0x6f: {  	_ =	shalt  }
0x70: {  	_ =	shalt  }
0x71: {  	_ =	shalt  }
0x72: {  	_ =	shalt  }
0x73: {  	_ =	shalt  }
0x74: {  	_ =	shalt  }
0x75: {  	_ =	shalt  }
0x76: {  	_ =	shalt  }
0x77: {  	_ =	shalt  }
0x78: {  	_ =	shalt  }
0x79: {  	_ =	shalt  }
0x7a: {  	_ =	shalt  }
0x7b: {  	_ =	shalt  }
0x7c: {  	_ =	shalt  }
0x7d: {  	_ =	shalt  }
0x7e: {  	_ =	shalt  }
0x7f: {  	_ =	shalt  }
0x80: {  	_ =	shalt  }
0x81: {  	_ =	shalt  }
0x82: {  	_ =	shalt  }
0x83: {  	_ =	shalt  }
0x84: {  	_ =	shalt  }
0x85: {  	_ =	shalt  }
0x86: {  	_ =	shalt  }
0x87: {  	_ =	shalt  }
.Lfunc_end0:
.L_simem_size_0:
called_computation.2_lowered:
.L_overlay_start_0:
0x88: {  	s2 =	sld [smem:$0x3FD9]  }
0x89: {  	s3 =	sld [smem:$0x3FFE];
	_ =	sdelay $0x1  }
0x8a: {  	s1 =	srdreg.scid  }
0x8b: {  	s0 =	sand.u32 $0x1, s1  }
0x8c: {  	s17 =	sshll.u32 s0, $0xA;
	s2 =	sadd.s32 s3, s2  }
0x8d: {  	s2 =	sadd.s32 s2, s17  }
0x8e: {  	[smem:$0x3FC6] =	sst s2  }
0x8f: {  	_ = 	snop  }
0x90: {  	s2 =	sld [smem:$0x3FD0];
	(tm) =	ssettm $0x1  }
0x91: {  	s18 =	sld [smem:$0x3FFB];
	_ =	sdelay $0x3  }
0x92: {  	_ =	strace s18  }
0x93: {  	s3 =	sld [smem:$0x3FFC];
	_ =	sdelay $0x3  }
0x94: {  	_ =	strace s3  }
0x95: {  	s3 =	sld [smem:$0x3FFD];
	_ =	sdelay $0x3  }
0x96: {  	_ =	strace s3  }
0x97: {  	_ =	strace $0x8FFFFFFF  }
0x98: {  	s19 =	sld [smem:$0x3FDB];
	_ =	sdelay $0x1  }
0x99: {  	s4 =	simm.s32 $_scs_section_size  }
0x9a: {  	s5 =	simm.s32 $_size__tile_overlayer_lowered;
	s6 =	simm.s32 $_tile_overlayer_lowered  }
0x9b: {  	s22 =	simm.s32 $0x1BFF;
	s21 =	sshll.u32 s6, $0x1;
	s3 =	sadd.s32 s4, s19  }
0x9c: {  	s7 =	simm.s32 $0x0;
	s20 =	sshll.u32 s5, $0x1;
	s5 =	sadd.s32 s21, s3  }
0x9d: {  	[timem:s7], [sflag:s22] =	dma.local [hbm:s5], s20  }
0x9e: {  	_ =	swait.ge [sflag:s22], s20  }
0x9f: {  	s4 =	ssub.s32 $0x0, s20;
	[sflag:s22] =	ssyncset.done $0x0  }
0xa0: {  	[sflag:s22] =	ssyncadd.s32 s4;
	_ =	sdelay $0x1  }
0xa1: {  	s23 =	simm.s32 $0x1B8B  }
0xa2: {  	_ =	swait.ge [sflag:s23], $0x1  }
0xa3: {  	[sflag:s23] =	ssyncset.done $0x0  }
0xa4: {  	s25 =	simm.s32 $0x1B8E;
	s24 =	sld [smem:$0x3FFE];
	[sflag:s23] =	ssyncadd.s32 $0xFFFFFFFF  }
0xa5: {  	s26 =	simm.s32 $execute0_lowered;
	[smem:$0x3FD2] =	sst s25  }
0xa6: {  	s5 =	sshll.u32 s26, $0x1;
	_ =	strace $0x80000049;
	[dreg:$0x1] =	wrdreg $0xFFFFFFFF  }
0xa7: {  	s28 =	simm.s32 $_size_execute0_lowered;
	s3 =	sadd.s32 s3, s5;
	[dreg:$0x0] =	wrdreg $0x0  }
0xa8: {  	s5 =	sshll.u32 s28, $0x1;
	[dreg:$0x2] =	wrdreg s3  }
0xa9: {  	[dreg:$0x3] =	wrdreg s5  }
0xaa: {  	[dreg:$0x4] =	wrdreg $0xC0  }
0xab: {  	_ =	task [dreg:s7], $0x5FFFF  }
0xac: {  	[dreg:$0x1] =	wrdreg $0xFFFFFFFF  }
0xad: {  	[dreg:$0x0] =	wrdreg $0x60  }
0xae: {  	[dreg:$0x2] =	wrdreg s24  }
0xaf: {  	[dreg:$0x3] =	wrdreg s2  }
0xb0: {  	[dreg:$0x4] =	wrdreg $0x9  }
0xb1: {  	_ =	task.clear_ibuf [dreg:s7], $0x5FFFF;
	_ =	strace $0x90000049  }
0xb2: {  	s29 =	simm.s32 $0x9;
	_ =	strace $0x8000004B  }
0xb3: {  	_ =	swait.ge [sflag:s29], $0x1  }
0xb4: {  	[sflag:s29] =	ssyncadd.s32 $0xFFFFFFFF  }
0xb5: {  	_ =	strace $0x9000004B  }
0xb6: {  	_ =	sfence  }
0xb7: {  	s30 =	sld [smem:$0x0];
	_ =	sdelay $0x2  }
0xb8: {  	s31 =	sshll.u32 s1, $0xD;
	s1 =	sshrl.u32 s1, $0x2  }
0xb9: {  	s3 =	sand.u32 $0x4000, s31;
	s1 =	sadd.s32 s1, s30  }
0xba: {  	s0 =	sor.u32 s3, s0;
	s1 =	sshll.u32 s1, $0x11  }
0xbb: {  	s0 =	sor.u32 s1, s0  }
0xbc: {  	s0 =	sadd.s32 $0x8F2B, s0  }
0xbd: {  	[sflag:s0] =	ssyncadd.remote.s32 $0x1  }
0xbe: {  	_ =	sfence.sel $0xFFFF  }
0xbf: {  	[dreg:$0x0] =	wrdreg $0xFFFFFFFF;
	(pc) =	sbr.abs _section_cstart, $3  }
0xc0: {  	[dreg:$0x1] =	wrdreg $0xFFFFFFFF  }
0xc1: {  	_ =	task.clear_ibuf [dreg:s7], $0x2FFFF;
	_ =	strace $0x9FFFFFFF  }
0xc2: {  	(tm) =	ssettm $0x7FFFFFFF  }
0xc3: {  	_ =	shalt  }
tec
execute0_lowered:
.L_overlay_start_1:
0x0: {  	(tag) =	ssettag $0x1  }
0x1: {  	s1 =	srdreg.scid  }
0x2: {  	s0 =	stileid.u32;
	s8 =	rddreg [dreg:$0x0]  }
0x3: {  	s2 =	rddreg [dreg:$0x1];
	s3 =	simm.s32 $0x0;
	s12 =	simm.s32 $0xA00  }
0x4: {  	s13 =	simm.s32 $0x1080;
	s14 =	simm.s32 $0x1700;
	s15 =	simm.s32 $0x680  }
0x5: {  	s16 =	simm.s32 $0x1D80;
	s17 =	simm.s32 $0x2A80;
	s18 =	simm.s32 $0x2400  }
0x6: {  	s19 =	simm.s32 $0xFA80;
	s20 =	simm.s32 $0x1;
	s21 =	simm.s32 $0x2  }
0x7: {  	s22 =	simm.s32 $0x3;
	s6 =	sand.u32 $0x1, s1;
	s31 =	sshll.u32 s0, $0x1  }
0x8: {  	s23 =	simm.s32 $0x4;
	s24 =	simm.s32 $0x0;
	s4 =	sor.u32 s6, s31  }
0x9: {  	[smem:$0x7FF] =	sst s3;
	s10 =	ssub.s32 $0x2, s6;
	s4 =	smul.u32 $0xA00, s4  }
0xa: {  	s5 =	sadd.s32 $0xE00, s8;
	_ =	strace $0x8000004A;
	s11 =	sshrl.u32 s10, $0x1  }
0xb: {  	s6 =	sadd.s32 $0x9EEC00, s8;
	s10 =	ssub.s32 s10, s11;
	s7 =	sshrl.u32 s4, $0x3  }
0xc: {  	s11 =	simm.s32 $0x5;
	s9 =	sadd.s32 s7, s8;
	s7 =	sadd.s32 $0x9EEA00, s8  }
0xd: {  	s10 =	smax.u32 s10, $0x1;
	s8 =	sadd.s32 $0x9EE800, s8;
	s9 =	sadd.s32 $0x9EC000, s9  }
.LBB2_1:
0xe: {  	[tilespmem:s3], [sflag:$0x5] =	stream.linear.gather [hbm4b:s9+s3], $0xA00, $0x38;
	[tilespmem:$0x1CA80] =	vst v63  }
0xf: {  	_ =	swait.ge [sflag:s11], $0xA00  }
0x10: {  	[sflag:s11] =	ssyncset.done $0x0  }
0x11: {  	[sflag:s11] =	ssyncadd.s32 $0xFFFFF600  }
0x12: {  	[tilespmem:s12], [sflag:$0x5] =	stream.linear.gather [hbm4b:s6+s3], $0x680, $0x38;
	[tilespmem:$0x1CA80] =	vst v63  }
0x13: {  	_ =	swait.ge [sflag:s11], $0x680  }
0x14: {  	[sflag:s11] =	ssyncset.done $0x0  }
0x15: {  	[sflag:s11] =	ssyncadd.s32 $0xFFFFF980  }
0x16: {  	[tilespmem:s13], [sflag:$0x5] =	stream.linear.gather [hbm4b:s7+s3], $0x680, $0x38;
	[tilespmem:$0x1CA80] =	vst v63  }
0x17: {  	_ =	swait.ge [sflag:s11], $0x680  }
0x18: {  	[sflag:s11] =	ssyncset.done $0x0  }
0x19: {  	[sflag:s11] =	ssyncadd.s32 $0xFFFFF980  }
0x1a: {  	[tilespmem:s14], [sflag:$0x5] =	stream.linear.gather [hbm4b:s8+s3], $0x680, $0x38;
	[tilespmem:$0x1CA80] =	vst v63  }
0x1b: {  	_ =	swait.ge [sflag:s11], $0x680  }
0x1c: {  	[sflag:s11] =	ssyncset.done $0x0  }
0x1d: {  	s25 =	simm.s32 $0x0;
	[sflag:s11] =	ssyncadd.s32 $0xFFFFF980  }
.LBB2_2:
0x1e: {  	p0 =	seq.s32 s25, $0x0  }
0x1f: {  	s26 =	simm.s32 @!p0 $0x3  }
0x20: {  	_ =	swait.ge @!p0 [sflag:s26], $0xD000  }
0x21: {  	[sflag:s26] =	ssyncset.done @!p0 $0x0  }
0x22: {  	s29 =	simm.s32 $0x0;
	[sflag:s26] =	ssyncadd.s32 @!p0 $0xFFFF3000  }
0x23: {  	v1 =	vld [tilespmem:s29+$0xA00];
	_ =	sdelay $0x2  }
0x24: {  	s26 =	sshll.u32 s25, $0x7  }
0x25: {  	v0 =	vmov s26  }
0x26: {  	v2 =	vadd.s32 v0, v1;
	_ =	sdelay $0x2  }
0x27: {  	s28 =	simm.s32 $0x10  }
0x28: {  	s30 =	simm.s32 $0x80;
	v1 =	vld [tilespmem:s28+$0xA00]  }
.LBB2_3:
0x29: {  	p1 =	sne.s32 s30, $0x19C0;
	v3 =	vld.idx.msk [tilespmem:v2+s3+$0x0], $0xffff  }
0x2a: {  	v4 =	vld [tilespmem:s29+$0x1080]  }
0x2b: {  	v5 =	vld [tilespmem:s29+$0x1700];
	_ =	sdelay $0x2  }
.Ltmp0:
0x2c: {  	v2 =	vadd.s32 v0, v1;
	(pc) =	sbr.rel @p1 .LBB2_3-.Ltmp0, $4  }
0x2d: {  	vm0 =	vlt.s32 v3, $0x18680  }
0x2e: {  	v1 =	vsel vm0, v4, v5  }
0x2f: {  	s31 =	sshra.s32 s30, $0x2;
	v3 =	vadd.s32 v3, v1  }
0x30: {  	s30 =	sadd.s32 $0x40, s30;
	v1 =	vld [tilespmem:s31+$0xA00];
	[tilespmem:s29+$0x1D80] =	vst v3;
	s29 =	smov.u32 s28;
	s28 =	smov.u32 s31  }
0x31: {  	_ =	sdelay $0x3  }
0x32: {  	v2 =	vld.idx.msk [tilespmem:v2+s3+$0x0], $0xffff  }
0x33: {  	v3 =	vld [tilespmem:s29+$0x1080]  }
0x34: {  	v4 =	vld [tilespmem:s29+$0x1700];
	_ =	sdelay $0x2  }
0x35: {  	v0 =	vadd.s32 v0, v1  }
0x36: {  	vm0 =	vlt.s32 v2, $0x18680  }
0x37: {  	v1 =	vsel vm0, v3, v4  }
0x38: {  	v1 =	vadd.s32 v2, v1  }
0x39: {  	[tilespmem:s29+$0x1D80] =	vst v1  }
0x3a: {  	v0 =	vld.idx.msk [tilespmem:v0+s3+$0x0], $0xffff  }
0x3b: {  	v1 =	vld [tilespmem:s28+$0x1080]  }
0x3c: {  	v2 =	vld [tilespmem:s28+$0x1700];
	_ =	sdelay $0x3  }
0x3d: {  	vm15 =	vlt.s32 v0, $0x18680  }
0x3e: {  	v1 =	vsel vm15, v1, v2  }
0x3f: {  	v0 =	vadd.s32 v0, v1  }
0x40: {  	[tilespmem:s28+$0x1D80] =	vst v0;
	s28 =	simm.s32 @!p0 $0x4  }
0x41: {  	[tilespmem:s17], [sflag:$0x1] =	stream.indirect.gather [hbm4b:s5+s15], $0x20, s16, s15, $0xb8;
	[tilespmem:$0x1CA80] =	vst v63  }
0x42: {  	_ =	swait.ge @!p0 [sflag:s28], $0xD000  }
0x43: {  	[sflag:s28] =	ssyncset.done @!p0 $0x0  }
0x44: {  	s30 =	simm.s32 $0x0;
	[sflag:s28] =	ssyncadd.s32 @!p0 $0xFFFF3000  }
0x45: {  	v1 =	vld [tilespmem:s30+$0xA00];
	_ =	sdelay $0x2  }
0x46: {  	s28 =	sor.u32 $0x40, s26  }
0x47: {  	v0 =	vmov s28  }
0x48: {  	v2 =	vadd.s32 v0, v1;
	_ =	sdelay $0x2  }
0x49: {  	s29 =	simm.s32 $0x10  }
0x4a: {  	s31 =	simm.s32 $0x80;
	v1 =	vld [tilespmem:s29+$0xA00]  }
.LBB2_5:
0x4b: {  	p0 =	sne.s32 s31, $0x19C0;
	v3 =	vld.idx.msk [tilespmem:v2+s3+$0x0], $0xffff  }
0x4c: {  	v4 =	vld [tilespmem:s30+$0x1080]  }
0x4d: {  	v5 =	vld [tilespmem:s30+$0x1700];
	_ =	sdelay $0x2  }
.Ltmp1:
0x4e: {  	v2 =	vadd.s32 v0, v1;
	(pc) =	sbr.rel @p0 .LBB2_5-.Ltmp1, $4  }
0x4f: {  	vm0 =	vlt.s32 v3, $0x18680  }
0x50: {  	v1 =	vsel vm0, v4, v5  }
0x51: {  	s1 =	sshra.s32 s31, $0x2;
	v3 =	vadd.s32 v3, v1  }
0x52: {  	s31 =	sadd.s32 $0x40, s31;
	v1 =	vld [tilespmem:s1+$0xA00];
	[tilespmem:s30+$0x2400] =	vst v3;
	s30 =	smov.u32 s29;
	s29 =	smov.u32 s1  }
0x53: {  	_ =	sdelay $0x3  }
0x54: {  	v2 =	vld.idx.msk [tilespmem:v2+s3+$0x0], $0xffff  }
0x55: {  	v3 =	vld [tilespmem:s30+$0x1080]  }
0x56: {  	v4 =	vld [tilespmem:s30+$0x1700];
	_ =	sdelay $0x2  }
0x57: {  	v0 =	vadd.s32 v0, v1  }
0x58: {  	vm0 =	vlt.s32 v2, $0x18680  }
0x59: {  	v62 =	vsel vm0, v3, v4  }
0x5a: {  	v1 =	vadd.s32 v2, v62  }
0x5b: {  	[tilespmem:s30+$0x2400] =	vst v1  }
0x5c: {  	v0 =	vld.idx.msk [tilespmem:v0+s3+$0x0], $0xffff  }
0x5d: {  	v1 =	vld [tilespmem:s29+$0x1080]  }
0x5e: {  	v63 =	vld [tilespmem:s29+$0x1700];
	_ =	sdelay $0x3  }
0x5f: {  	vm15 =	vlt.s32 v0, $0x18680  }
0x60: {  	v1 =	vsel vm15, v1, v63  }
0x61: {  	v0 =	vadd.s32 v0, v1  }
0x62: {  	s1 =	sadd.s32 s4, s26;
	[tilespmem:s29+$0x2400] =	vst v0  }
0x63: {  	[tilespmem:s19], [sflag:$0x2] =	stream.indirect.gather [hbm4b:s5+s15], $0x20, s18, s15, $0xb8;
	[tilespmem:$0x1CA80] =	vst v63  }
0x64: {  	s1 =	smul.u32 $0x68, s1;
	_ =	swait.ge [sflag:s20], $0xD000  }
0x65: {  	s25 =	sadd.s32 $0x1, s25;
	[sflag:s20] =	ssyncset.done $0x0  }
0x66: {  	p0 =	sne.s32 s25, $0x14;
	s1 =	sadd.s32 s2, s1;
	[sflag:s20] =	ssyncadd.s32 $0xFFFF3000  }
0x67: {  	[hbm4b:s1+s3] =	stream.linear.scatter [tilespmem:s17], [sflag:$0x3], $0xD000, $0x38;
	[tilespmem:$0x1CA80] =	vst v63  }
.Ltmp2:
0x68: {  	s31 =	sadd.s32 s4, s28;
	(pc) =	sbr.rel @p0 .LBB2_2-.Ltmp2, $4  }
0x69: {  	s1 =	smul.u32 $0x68, s31;
	_ =	swait.ge [sflag:s21], $0xD000  }
0x6a: {  	[sflag:s21] =	ssyncset.done $0x0  }
0x6b: {  	s1 =	sadd.s32 s2, s1;
	[sflag:s21] =	ssyncadd.s32 $0xFFFF3000  }
0x6c: {  	[hbm4b:s1+s3] =	stream.linear.scatter [tilespmem:s19], [sflag:$0x4], $0xD000, $0x38;
	[tilespmem:$0x1CA80] =	vst v63  }
0x6d: {  	s24 =	sadd.s32 $0x1, s24  }
0x6e: {  	_ =	swait.ge [sflag:s22], $0xD000;
	p0 =	sne.s32 s24, s10  }
.Ltmp3:
0x6f: {  	[sflag:s22] =	ssyncset.done $0x0;
	(pc) =	sbr.rel @p0 .LBB2_1-.Ltmp3, $4  }
0x70: {  	[sflag:s22] =	ssyncadd.s32 $0xFFFF3000  }
0x71: {  	_ =	swait.ge [sflag:s23], $0xD000  }
0x72: {  	[sflag:s23] =	ssyncset.done $0x0  }
0x73: {  	[sflag:s23] =	ssyncadd.s32 $0xFFFF3000  }
0x74: {  	_ =	sfence.sel $0x180000  }
0x75: {  	[bflag:$0x0] =	sbarrier.arrive $0xFFFF  }
0x76: {  	_ =	strace $0x9000004A  }
0x77: {  	[bflag:$0x2] =	sbarrier.arrive $0xFFFF  }
0x78: {  	p0 =	sne.s32 s0, $0x0;
	s0 =	rddreg [dreg:$0x2]  }
0x79: {  	s0 =	sadd.s32 @!p0 $0x100000, s0  }
0x7a: {  	[sflag:s0] =	ssyncadd.tile.s32 @!p0 $0x1;
	_ =	shalt  }
.Lfunc_end2:
_tile_overlayer_lowered:
.L_overlay_start_2:
0x7b: {  	(tag) =	ssettag $0x2  }
0x7c: {  	s0 =	rddreg [dreg:$0x0];
	s2 =	stileid.u32  }
0x7d: {  	s1 =	rddreg [dreg:$0x1];
	p0 =	sne.s32 s2, $0x0  }
0x7e: {  	s3 =	rddreg [dreg:$0x2];
	[bflag:$0x3] =	sbarrier.arrive $0xFFFF;
	s2 =	simm.s32 @!p0 $0x1C05  }
0x7f: {  	[timem:s3], [sflag:s2] =	dma.local @!p0 [hbm:s0], s1  }
0x80: {  	s0 =	simm.s32 @!p0 $0x5  }
0x81: {  	_ =	swait.ge @!p0 [sflag:s0], s1  }
0x82: {  	s1 =	ssub.s32 @!p0 $0x0, s1;
	[sflag:s0] =	ssyncset.done @!p0 $0x0  }
0x83: {  	[sflag:s0] =	ssyncadd.s32 @!p0 s1  }
0x84: {  	[bflag:$0x3] =	sbarrier.arrive $0xFFFF  }
0x85: {  	_ =	shalt  }

// kernel: sparse-core-data-format-call.cloned.1.call-start
scs
called_computation_lowered:
.L_overlay_start_0:
0x0: {  	s2 =	sld [smem:$0x3FD9]  }
0x1: {  	s3 =	sld [smem:$0x3FFE];
	_ =	sdelay $0x1  }
0x2: {  	s1 =	srdreg.scid  }
0x3: {  	s0 =	sand.u32 $0x1, s1  }
0x4: {  	s18 =	sshll.u32 s0, $0xA;
	s2 =	sadd.s32 s3, s2  }
0x5: {  	s2 =	sadd.s32 s2, s18  }
0x6: {  	[smem:$0x3FC6] =	sst s2  }
0x7: {  	_ = 	snop  }
0x8: {  	s2 =	sld [smem:$0x3FD0];
	(tm) =	ssettm $0x1  }
0x9: {  	s19 =	sld [smem:$0x3FFB];
	_ =	sdelay $0x3  }
0xa: {  	_ =	strace s19  }
0xb: {  	s3 =	sld [smem:$0x3FFC];
	_ =	sdelay $0x3  }
0xc: {  	_ =	strace s3  }
0xd: {  	s3 =	sld [smem:$0x3FFD];
	_ =	sdelay $0x3  }
0xe: {  	_ =	strace s3  }
0xf: {  	_ =	strace $0x8FFFFFFF  }
0x10: {  	s20 =	sld [smem:$0x3FDB];
	_ =	sdelay $0x1  }
0x11: {  	s4 =	simm.s32 $_scs_section_size  }
0x12: {  	s5 =	simm.s32 $_size__tile_overlayer_lowered;
	s6 =	simm.s32 $_tile_overlayer_lowered  }
0x13: {  	s23 =	simm.s32 $0x1BFF;
	s22 =	sshll.u32 s6, $0x1;
	s3 =	sadd.s32 s4, s20  }
0x14: {  	s7 =	simm.s32 $0x0;
	s21 =	sshll.u32 s5, $0x1;
	s5 =	sadd.s32 s22, s3  }
0x15: {  	[timem:s7], [sflag:s23] =	dma.local [hbm:s5], s21  }
0x16: {  	_ =	swait.ge [sflag:s23], s21  }
0x17: {  	s4 =	ssub.s32 $0x0, s21;
	[sflag:s23] =	ssyncset.done $0x0  }
0x18: {  	[sflag:s23] =	ssyncadd.s32 s4;
	_ =	sdelay $0x1  }
0x19: {  	s24 =	simm.s32 $0x1B8B  }
0x1a: {  	_ =	swait.ge [sflag:s24], $0x1  }
0x1b: {  	[sflag:s24] =	ssyncset.done $0x0  }
0x1c: {  	s26 =	simm.s32 $0x1B8E;
	s25 =	sld [smem:$0x3FFE];
	[sflag:s24] =	ssyncadd.s32 $0xFFFFFFFF  }
0x1d: {  	s27 =	simm.s32 $execute0_lowered;
	[smem:$0x3FD2] =	sst s26  }
0x1e: {  	s5 =	sshll.u32 s27, $0x1;
	_ =	strace $0x8000004C;
	[dreg:$0x1] =	wrdreg $0xFFFFFFFF  }
0x1f: {  	s28 =	simm.s32 $_size_execute0_lowered;
	s3 =	sadd.s32 s3, s5;
	[dreg:$0x0] =	wrdreg $0x0  }
0x20: {  	s5 =	sshll.u32 s28, $0x1;
	[dreg:$0x2] =	wrdreg s3  }
0x21: {  	[dreg:$0x3] =	wrdreg s5  }
0x22: {  	[dreg:$0x4] =	wrdreg $0xC0  }
0x23: {  	_ =	task [dreg:s7], $0x5FFFF  }
0x24: {  	[dreg:$0x1] =	wrdreg $0xFFFFFFFF  }
0x25: {  	[dreg:$0x0] =	wrdreg $0x60  }
0x26: {  	[dreg:$0x2] =	wrdreg s25  }
0x27: {  	[dreg:$0x3] =	wrdreg s2  }
0x28: {  	[dreg:$0x4] =	wrdreg $0x9  }
0x29: {  	_ =	task.clear_ibuf [dreg:s7], $0x5FFFF;
	_ =	strace $0x9000004C  }
0x2a: {  	s29 =	simm.s32 $0x9;
	_ =	strace $0x8000004E  }
0x2b: {  	_ =	swait.ge [sflag:s29], $0x1  }
0x2c: {  	[sflag:s29] =	ssyncadd.s32 $0xFFFFFFFF  }
0x2d: {  	_ =	strace $0x9000004E  }
0x2e: {  	_ =	sfence  }
0x2f: {  	s30 =	sld [smem:$0x0];
	_ =	sdelay $0x2  }
0x30: {  	s31 =	sshll.u32 s1, $0xD;
	s1 =	sshrl.u32 s1, $0x2  }
0x31: {  	s3 =	sand.u32 $0x4000, s31;
	s1 =	sadd.s32 s1, s30  }
0x32: {  	s0 =	sor.u32 s3, s0;
	s1 =	sshll.u32 s1, $0x11  }
0x33: {  	s0 =	sor.u32 s1, s0  }
0x34: {  	s0 =	sadd.s32 $0x8F2B, s0  }
0x35: {  	[sflag:s0] =	ssyncadd.remote.s32 $0x1  }
0x36: {  	_ =	sfence.sel $0xFFFF  }
0x37: {  	[dreg:$0x0] =	wrdreg $0xFFFFFFFF;
	(pc) =	sbr.abs _section_cstart, $3  }
0x38: {  	[dreg:$0x1] =	wrdreg $0xFFFFFFFF  }
0x39: {  	_ =	task.clear_ibuf [dreg:s7], $0x2FFFF;
	_ =	strace $0x9FFFFFFF  }
0x3a: {  	(tm) =	ssettm $0x7FFFFFFF  }
0x3b: {  	_ =	shalt  }
tec
execute0_lowered:
.L_overlay_start_1:
0x0: {  	(tag) =	ssettag $0x1  }
0x1: {  	s0 =	srdreg.scid;
	s6 =	rddreg [dreg:$0x0]  }
0x2: {  	s3 =	rddreg [dreg:$0x1];
	s1 =	sshll.u32 s0, $0x4  }
0x3: {  	s5 =	simm.s32 $0x1;
	s0 =	stileid.u32;
	s1 =	sand.u32 $0x10, s1  }
0x4: {  	s31 =	simm.s32 $0x2;
	s16 =	simm.s32 $0x0;
	s1 =	sor.u32 s0, s1  }
0x5: {  	s8 =	simm.s32 $0x8000;
	s18 =	simm.s32 $0x0;
	s2 =	sshll.u32 s1, $0x7  }
0x6: {  	s17 =	simm.s32 $0x0;
	s9 =	simm.s32 $0x0;
	s4 =	ssub.s32 $0x1000, s2  }
0x7: {  	s10 =	simm.s32 $0x0;
	s11 =	simm.s32 $0x0;
	s30 =	sand.u32 $0xF80, s4  }
0x8: {  	s12 =	simm.s32 $0x0;
	s13 =	simm.s32 $0x0;
	p0 =	sne.s32 s30, $0x0  }
.Ltmp0:
0x9: {  	s7 =	sshrl.u32 s4, $0xC;
	s5 =	simm.s32 @!p0 $0x0;
	(pc) =	sbr.rel .LBB1_1-.Ltmp0, $4  }
0xa: {  	s15 =	simm.s32 $0x0;
	s1 =	rddreg [dreg:$0x2];
	s5 =	sadd.s32 s5, s7  }
0xb: {  	_ =	strace $0x8000004D;
	s4 =	simm.s32 $0x1;
	s5 =	smul.u32 $0x8C, s5  }
0xc: {  	s6 =	sadd.s32 $0xE00, s6;
	s14 =	smov.u32 s2;
	[sflag:s4] =	ssyncpa.u1 $0x0  }
0xd: {  	[sflag:s31] =	ssyncpa.u1 $0x0;
	p0 =	por $0x0, $0x0;
	s7 =	sor.u32 $0x1, s5  }
.LBB1_4:
0xe: {  	s23 =	sshra.s32 s23, $0x2;
	s30 =	sshll.u32 s9, $0xC  }
0xf: {  	p1 =	sgt.s32 s10, $0x13;
	s24 =	smov.u32 s10;
	s25 =	sshra.s32 s10, $0x1F  }
0x10: {  	s26 =	sshll.u32 s11, $0x3;
	s28 =	smov.u32 s11;
	s29 =	sshra.s32 s11, $0x1F  }
0x11: {  	s22 =	sadd.s32 s23, s22;
	s24 =	simm.s32 @!p1 $0x13;
	s25 =	sand.u32 s25, s10  }
0x12: {  	s23 =	sand.u32 $0xFFFF8000, s30;
	s27 =	sand.u32 $0xFFFFFC00, s26;
	p1 =	sgt.s32 s9, $0x2C0  }
0x13: {  	s31 =	sand.u32 s29, s11;
	s29 =	sshll.u32 s9, $0x7;
	s30 =	sshra.s32 s9, $0x1F  }
0x14: {  	[tilespmem:s21+$0x2040 ss:$0x81] =	vst.msk $0xffff, v4;
	s24 =	ssub.s32 s24, s25;
	s23 =	sadd.s32 s27, s23;
	s27 =	smov.u32 s9  }
0x15: {  	[tilespmem:s21+$0x2850 ss:$0x81] =	vst.msk $0xffff, v3;
	s29 =	sand.u32 $0x380, s29;
	s25 =	sadd.s32 $0xFFFFFFED, s24;
	s27 =	simm.s32 @!p1 $0x2C0  }
0x16: {  	v5 =	vld [tilespmem:s20+$0xFFFFFFD0];
	[tilespmem:s21+$0x3060 ss:$0x81] =	vst.msk $0xffff, v2;
	p1 =	sgt.s32 s11, $0xF80;
	s23 =	sshrl.u32 s23, $0xC;
	s24 =	ssub.s32 $0x14, s24  }
0x17: {  	v58 =	vld [tilespmem:s20+$0xFFFFFFE0];
	[tilespmem:s21+$0x0 ss:$0x81] =	vst.msk $0xffff, v1;
	s28 =	simm.s32 @!p1 $0xF80;
	p1 =	sgt.s32 s25, $0x0;
	s21 =	smulhi.u32 $0x4EC4ED, s23  }
0x18: {  	v59 =	vld [tilespmem:s20+$0xFFFFFFF0];
	s25 =	ssub.s32 s28, s31;
	s28 =	sand.u32 s30, s9;
	s24 =	simm.s32 @p1 $0x0  }
0x19: {  	v60 =	vld [tilespmem:s20+$0x0];
	s27 =	ssub.s32 s27, s28;
	s31 =	sadd.s32 $0xFFFFF080, s25;
	s25 =	ssub.s32 $0x1000, s25  }
0x1a: {  	v61 =	vld [tilespmem:s20+$0x10];
	[tilespmem:s22+$0x3870 ss:$0x81] =	vst.msk $0xffff, v0;
	s21 =	smul.u32 $0x340, s21;
	s28 =	sand.u32 $0x7, s11;
	p1 =	sgt.s32 s31, $0x7F  }
0x1b: {  	v62 =	vld [tilespmem:s20+$0x20];
	[tilespmem:s22+$0x810 ss:$0x81] =	vst.msk $0xffff, v5;
	s30 =	sadd.s32 $0xFFFFFD40, s27;
	s31 =	sand.u32 $0x78, s11;
	s25 =	simm.s32 @p1 $0x0  }
0x1c: {  	v63 =	vld [tilespmem:s20+$0xFFFFFFC0];
	[tilespmem:s22+$0x1020 ss:$0x81] =	vst.msk $0xffff, v58;
	p1 =	sgt.s32 s30, $0x7F;
	s30 =	sand.u32 $0xC00, s26;
	s24 =	smul.u32 s25, s24  }
0x1d: {  	[tilespmem:s22+$0x1830 ss:$0x81] =	vst.msk $0xffff, v59;
	s26 =	ssub.s32 $0x340, s27;
	s20 =	sor.u32 s31, s30;
	s31 =	smul.u32 $0x68000, s10  }
0x1e: {  	[tilespmem:s22+$0x2040 ss:$0x81] =	vst.msk $0xffff, v60;
	s21 =	ssub.s32 s23, s21;
	s26 =	simm.s32 @p1 $0x0;
	s20 =	sor.u32 s29, s20  }
0x1f: {  	[tilespmem:s22+$0x2850 ss:$0x81] =	vst.msk $0xffff, v61;
	s26 =	smul.u32 s26, s24;
	s20 =	sshrl.u32 s20, $0x3;
	s27 =	sadd.s32 s3, s31  }
0x20: {  	[tilespmem:s22+$0x3060 ss:$0x81] =	vst.msk $0xffff, v62;
	s21 =	sshll.u32 s21, $0x9;
	s29 =	sshll.u32 s28, $0x12;
	s20 =	sadd.s32 s20, s27  }
0x21: {  	[tilespmem:s22+$0x0 ss:$0x81] =	vst.msk $0xffff, v63;
	s31 =	sor.u32 $0x400, s29;
	s30 =	sand.u32 $0x3FFFFFFF, s26;
	s20 =	sadd.s32 s21, s20  }
0x22: {  	[hbm4b:s20+s31] =	stream.strided.scatter [tilespmem:s19], [sflag:$0x2], s30, s8, s31, $0x20;
	[tilespmem:$0x10100] =	vst v63  }
.LBB1_5:
0x23: {  	p1 =	slt.u32 s15, $0x2  }
0x24: {  	p2 =	sgt.s32 @!p1 s18, $0x13  }
0x25: {  	s19 =	smov.u32 s18;
	s20 =	sshra.s32 @!p1 s18, $0x1F;
	p2 =	por !p2, p1  }
0x26: {  	s18 =	sand.u32 @!p1 s20, s18;
	s19 =	simm.s32 @p2 $0x13  }
0x27: {  	p3 =	sgt.s32 @!p1 s16, $0x2C0;
	s18 =	ssub.s32 @!p1 s19, s18  }
0x28: {  	p4 =	sgt.s32 @!p1 s17, $0xF80;
	s21 =	sshra.s32 @!p1 s17, $0x1F;
	s19 =	sadd.s32 @!p1 $0xFFFFFFED, s18  }
0x29: {  	s20 =	smov.u32 s16;
	p2 =	sgt.s32 @!p1 s19, $0x0;
	s19 =	sshra.s32 @!p1 s16, $0x1F  }
0x2a: {  	p4 =	por !p4, p1;
	s16 =	sand.u32 @!p1 s19, s16;
	s19 =	smov.u32 s17  }
0x2b: {  	p3 =	por !p3, p1;
	s17 =	sand.u32 @!p1 s21, s17;
	s19 =	simm.s32 @p4 $0xF80  }
0x2c: {  	s20 =	simm.s32 @p3 $0x2C0;
	s18 =	ssub.s32 @!p1 $0x14, s18;
	s17 =	ssub.s32 @!p1 s19, s17  }
0x2d: {  	p2 =	por !p2, p1;
	s16 =	ssub.s32 @!p1 s20, s16;
	s20 =	sadd.s32 @!p1 $0xFFFFF080, s17  }
0x2e: {  	s18 =	simm.s32 @!p2 $0x0;
	p3 =	sgt.s32 @!p1 s20, $0x7F  }
0x2f: {  	s19 =	sadd.s32 @!p1 $0xFFFFFD40, s16;
	s17 =	ssub.s32 @!p1 $0x1000, s17;
	p3 =	por !p3, p1  }
0x30: {  	p2 =	sgt.s32 @!p1 s19, $0x7F;
	s19 =	sadd.s32 $0x80, s12;
	s17 =	simm.s32 @!p3 $0x0  }
0x31: {  	p3 =	sgt.s32 s19, $0x33F;
	s17 =	smul.u32 @!p1 s17, s18;
	s18 =	simm.s32 $0x1  }
0x32: {  	s16 =	ssub.s32 @!p1 $0x340, s16;
	p2 =	por !p2, p1;
	s18 =	simm.s32 @!p3 $0x0  }
0x33: {  	s21 =	smov.u32 s14;
	s16 =	simm.s32 @!p2 $0x0;
	s20 =	sadd.s32 s18, s13  }
0x34: {  	s16 =	smul.u32 @!p1 s16, s17;
	s17 =	sadd.s32 $0x1000, s14;
	p2 =	sgt.s32 s20, $0x13  }
0x35: {  	p0 =	por !p0, !p0;
	s22 =	simm.s32 @!p1 $0x2;
	s21 =	smov.u32 @p2 s17  }
0x36: {  	s19 =	simm.s32 @p3 $0x0;
	s20 =	simm.s32 @p2 $0x0;
	p2 =	sgt.s32 s21, $0xFFF  }
0x37: {  	s18 =	smov.u32 s10;
	s21 =	smov.u32 @p2 s2;
	p2 =	sne.s32 s15, s7  }
.Ltmp1:
0x38: {  	s10 =	smov.u32 s13;
	s16 =	sand.u32 @!p1 $0x3FFFFFFF, s16;
	(pc) =	sbr.rel @!p2 .LBB1_6-.Ltmp1, $4  }
0x39: {  	s17 =	smov.u32 s11;
	s11 =	smov.u32 s14;
	_ =	swait.ge @!p1 [sflag:s22], s16  }
0x3a: {  	s23 =	ssub.s32 @!p1 $0x0, s16;
	s16 =	smov.u32 s9;
	s9 =	smov.u32 s12  }
0x3b: {  	s12 =	smov.u32 s19;
	s13 =	smov.u32 s20;
	[sflag:s22] =	ssyncset.done @!p1 $0x0  }
0x3c: {  	s15 =	sadd.s32 $0x1, s15;
	[sflag:s22] =	ssyncadd.s32 @!p1 s23;
	s14 =	smov.u32 s21  }
.LBB1_1:
0x3d: {  	p1 =	sge.u32 s15, s5  }
0x3e: {  	s19 =	sshrl.u32 @!p1 s13, $0x3  }
0x3f: {  	s20 =	sshll.u32 @!p1 s12, $0x3;
	s19 =	smul.u32 @!p1 $0x1C00, s19  }
0x40: {  	s21 =	sshll.u32 @!p1 s13, $0x7;
	s20 =	sand.u32 @!p1 $0xFFFFFC00, s20  }
0x41: {  	s19 =	sadd.s32 @!p1 s19, s20;
	s20 =	sand.u32 @!p1 $0x380, s21  }
0x42: {  	s19 =	sor.u32 @!p1 s20, s19  }
0x43: {  	s20 =	sshrl.u32 @!p1 s19, $0x7  }
0x44: {  	s20 =	smulhi.u32 @!p1 $0x24924925, s20;
	_ =	sdelay $0x1  }
0x45: {  	s21 =	smulhi.u32 @!p1 $0xAAAAAAB, s20;
	_ =	sdelay $0x1  }
0x46: {  	s22 =	sand.u32 @!p1 $0x7F, s12;
	s21 =	smul.u32 @!p1 $0x18, s21  }
0x47: {  	s31 =	sadd.s32 $0xFFFFFFFF, s15;
	s19 =	sor.u32 @!p1 s22, s19;
	s22 =	smul.u32 @!p1 $0x380, s20  }
0x48: {  	s23 =	sxor.u32 @!p1 $0xFFFFFFFF, s15;
	s20 =	ssub.s32 @!p1 s20, s21;
	s21 =	smul.u32 @!p1 $0xA80, s14  }
0x49: {  	s23 =	sshll.u32 @!p1 s23, $0xE;
	s19 =	ssub.s32 @!p1 s19, s22;
	s20 =	smul.u32 @!p1 $0x70, s20  }
0x4a: {  	s22 =	sand.u32 @!p1 $0x4000, s23;
	s23 =	sand.u32 @!p1 $0x7, s19;
	s21 =	sadd.s32 @!p1 s6, s21  }
0x4b: {  	s19 =	sshrl.u32 @!p1 s19, $0x3;
	s20 =	sadd.s32 @!p1 s20, s21;
	s21 =	sshll.u32 @!p1 s23, $0x12  }
0x4c: {  	s19 =	sadd.s32 @!p1 s19, s20;
	s20 =	sor.u32 @!p1 $0x80, s21;
	s21 =	simm.s32 @!p1 $0x5400  }
0x4d: {  	[tilespmem:s22], [sflag:$0x1] =	stream.strided.gather @!p1 [hbm4b:s19+s20], $0x4000, s21, s20, $0x38;
	[tilespmem:$0x10100] =	vst v63  }
0x4e: {  	p1 =	sge.u32 s31, s5  }
.Ltmp2:
0x4f: {  	_ = 	snop;
	(pc) =	sbr.rel @p1 .LBB1_5-.Ltmp2, $1  }
0x50: {  	_ =	sdelay $0x3  }
0x51: {  	s19 =	simm.s32 $0x1  }
0x52: {  	_ =	swait.ge [sflag:s4], $0x4000;
	s19 =	simm.s32 @!p0 $0x0  }
0x53: {  	[sflag:s4] =	ssyncset.done $0x0;
	s20 =	sshll.u32 s19, $0xE  }
0x54: {  	[sflag:s4] =	ssyncadd.s32 $0xFFFFC000;
	s20 =	sor.u32 $0x40, s20  }
0x55: {  	s19 =	smul.u32 $0x10200, s19;
	v0 =	vld [tilespmem:s20+$0x30]  }
0x56: {  	v1 =	vld [tilespmem:s20+$0xFFFFFFD0]  }
0x57: {  	s19 =	sshrl.u32 s19, $0x2;
	v5 =	vld [tilespmem:s20+$0xFFFFFFE0]  }
0x58: {  	v6 =	vld [tilespmem:s20+$0xFFFFFFF0];
	s22 =	sor.u32 $0x8000, s19  }
0x59: {  	s31 =	sand.u32 $0x1, s15;
	v4 =	vld [tilespmem:s20+$0x0];
	s21 =	sadd.s32 $0x0, s22  }
0x5a: {  	v3 =	vld [tilespmem:s20+$0x10];
	s19 =	smul.u32 $0x10200, s31;
	[tilespmem:s21+$0x3870 ss:$0x81] =	vst.msk $0xffff, v0  }
0x5b: {  	v2 =	vld [tilespmem:s20+$0x20];
	[tilespmem:s21+$0x810 ss:$0x81] =	vst.msk $0xffff, v1  }
0x5c: {  	s19 =	sshrl.u32 s19, $0x2;
	v1 =	vld [tilespmem:s20+$0xFFFFFFC0];
	[tilespmem:s21+$0x1020 ss:$0x81] =	vst.msk $0xffff, v5;
	s20 =	sadd.s32 $0x80, s20  }
0x5d: {  	s23 =	simm.s32 $0x4;
	s24 =	simm.s32 $0x8;
	s19 =	sor.u32 $0x8000, s19;
	[tilespmem:s21+$0x1830 ss:$0x81] =	vst.msk $0xffff, v6;
	v0 =	vld [tilespmem:s20+$0x30]  }
.LBB1_3:
0x5e: {  	p1 =	sne.s32 s24, $0x1FC;
	v5 =	vld [tilespmem:s20+$0xFFFFFFD0];
	[tilespmem:s21+$0x2040 ss:$0x81] =	vst.msk $0xffff, v4  }
0x5f: {  	v6 =	vld [tilespmem:s20+$0xFFFFFFE0];
	[tilespmem:s21+$0x2850 ss:$0x81] =	vst.msk $0xffff, v3  }
0x60: {  	s25 =	sshra.s32 s23, $0x2;
	s23 =	smov.u32 s24;
	v7 =	vld [tilespmem:s20+$0xFFFFFFF0];
	[tilespmem:s21+$0x3060 ss:$0x81] =	vst.msk $0xffff, v2  }
.Ltmp3:
0x61: {  	v4 =	vld [tilespmem:s20+$0x0];
	[tilespmem:s21+$0x0 ss:$0x81] =	vst.msk $0xffff, v1;
	s21 =	sadd.s32 s25, s22;
	(pc) =	sbr.rel @p1 .LBB1_3-.Ltmp3, $4  }
0x62: {  	v3 =	vld [tilespmem:s20+$0x10];
	[tilespmem:s21+$0x3870 ss:$0x81] =	vst.msk $0xffff, v0  }
0x63: {  	[tilespmem:s21+$0x810 ss:$0x81] =	vst.msk $0xffff, v5;
	v2 =	vld [tilespmem:s20+$0x20]  }
0x64: {  	v1 =	vld [tilespmem:s20+$0xFFFFFFC0];
	[tilespmem:s21+$0x1020 ss:$0x81] =	vst.msk $0xffff, v6;
	s20 =	sadd.s32 $0x80, s20  }
0x65: {  	s24 =	sadd.s32 $0x4, s24;
	v0 =	vld [tilespmem:s20+$0x30];
	[tilespmem:s21+$0x1830 ss:$0x81] =	vst.msk $0xffff, v7  }
.Ltmp4:
0x66: {  	_ = 	snop;
	(pc) =	sbr.rel .LBB1_4-.Ltmp4, $1  }
0x67: {  	_ =	sdelay $0x3  }
.LBB1_6:
0x68: {  	_ =	sfence.sel $0x180000  }
0x69: {  	s2 =	simm.s32 $0x1;
	[bflag:$0x0] =	sbarrier.arrive $0xFFFF  }
0x6a: {  	s31 =	simm.s32 $0x2;
	[sflag:s2] =	ssyncpa.u1 $0x1  }
0x6b: {  	[sflag:s31] =	ssyncpa.u1 $0x1  }
0x6c: {  	p0 =	sne.s32 s0, $0x0;
	_ =	strace $0x9000004D  }
0x6d: {  	s0 =	sadd.s32 @!p0 $0x100000, s1;
	[bflag:$0x2] =	sbarrier.arrive $0xFFFF  }
0x6e: {  	[sflag:s0] =	ssyncadd.tile.s32 @!p0 $0x1;
	_ =	shalt  }
.Lfunc_end1:
_tile_overlayer_lowered:
.L_overlay_start_2:
0x6f: {  	(tag) =	ssettag $0x2  }
0x70: {  	s0 =	rddreg [dreg:$0x0];
	s2 =	stileid.u32  }
0x71: {  	s1 =	rddreg [dreg:$0x1];
	p0 =	sne.s32 s2, $0x0  }
0x72: {  	s3 =	rddreg [dreg:$0x2];
	[bflag:$0x3] =	sbarrier.arrive $0xFFFF;
	s2 =	simm.s32 @!p0 $0x1C01  }
0x73: {  	[timem:s3], [sflag:s2] =	dma.local @!p0 [hbm:s0], s1  }
0x74: {  	s0 =	simm.s32 @!p0 $0x1  }
0x75: {  	_ =	swait.ge @!p0 [sflag:s0], s1  }
0x76: {  	s1 =	ssub.s32 @!p0 $0x0, s1;
	[sflag:s0] =	ssyncset.done @!p0 $0x0  }
0x77: {  	[sflag:s0] =	ssyncadd.s32 @!p0 s1  }
0x78: {  	[bflag:$0x3] =	sbarrier.arrive $0xFFFF  }
0x79: {  	_ =	shalt  }

</sc_bundles>
